<compile_context>
chip_gen: v7x
topology: tpu7x:2x2x1
jax: 0.10.2.dev20260603
libtpu: 0.0.44.dev20260713+nightly
codegen_flags: <defaults>
</compile_context>

<pallas_src>
import functools

import jax
import jax.numpy as jnp
from jax import lax
from jax.experimental import pallas as pl
from jax.experimental.pallas import tpu as pltpu
from jax.experimental.pallas import tpu_sc as plsc

B = 16384
GMF_D = 8
MLP_D = 16
GMF_PACK = 128 // GMF_D
MLP_PACK = 128 // MLP_D
CHUNK = 128
BLK = 1024


def _gather_sc(idx_all, gu_t, gi_t, mu_t, mi_t):
    info = plsc.get_sparse_core_info()
    NW = info.num_cores * info.num_subcores
    BW = B // NW
    n_rounds = BW // CHUNK

    mesh = plsc.VectorSubcoreMesh(core_axis_name="c", subcore_axis_name="s")

    @functools.partial(
        pl.kernel,
        mesh=mesh,
        out_type=[jax.ShapeDtypeStruct((B, 128), jnp.float32)] * 4,
        scratch_types=[
            pltpu.VMEM((4, BW), jnp.int32),
            pltpu.VMEM((CHUNK, 128), jnp.float32),
            pltpu.VMEM((CHUNK, 128), jnp.float32),
            pltpu.VMEM((CHUNK, 128), jnp.float32),
            pltpu.VMEM((CHUNK, 128), jnp.float32),
            pltpu.SemaphoreType.DMA,
        ],
    )
    def gather_kernel(idx_hbm, gu_tab, gi_tab, mu_tab, mi_tab,
                      gu_out, gi_out, mu_out, mi_out,
                      sidx, b0, b1, b2, b3, sem):
        wid = lax.axis_index("s") * info.num_cores + lax.axis_index("c")
        tabs = (gu_tab, gi_tab, mu_tab, mi_tab)
        bufs = (b0, b1, b2, b3)
        outs = (gu_out, gi_out, mu_out, mi_out)
        for t in range(4):
            pltpu.sync_copy(idx_hbm.at[t, wid], sidx.at[t])
        for r in range(n_rounds):
            copies = [
                pltpu.async_copy(
                    tabs[t].at[sidx.at[t, pl.ds(r * CHUNK, CHUNK)]],
                    bufs[t], sem)
                for t in range(4)
            ]
            for c in copies:
                c.wait()
            for t in range(4):
                pltpu.sync_copy(
                    bufs[t], outs[t].at[pl.ds(wid * BW + r * CHUNK, CHUNK)])

    return gather_kernel(idx_all, gu_t, gi_t, mu_t, mi_t)


def _head_tc_body(u, it, gu128, gi128, mu128, mi128,
                  w1u, w1i, b1, w2, b2, wlg, wlh, bl, out):
    liota = lax.broadcasted_iota(jnp.int32, (BLK, 128), 1)
    g_sel = lax.broadcasted_iota(jnp.int32, (128, GMF_D), 0) % GMF_D
    g_pos = lax.broadcasted_iota(jnp.int32, (128, GMF_D), 1)
    G8 = (g_sel == g_pos).astype(jnp.float32)
    m_sel = lax.broadcasted_iota(jnp.int32, (128, MLP_D), 0) % MLP_D
    m_pos = lax.broadcasted_iota(jnp.int32, (128, MLP_D), 1)
    G16 = (m_sel == m_pos).astype(jnp.float32)

    u_g = u[...] % GMF_PACK
    i_g = it[...] % GMF_PACK
    u_m = u[...] % MLP_PACK
    i_m = it[...] % MLP_PACK
    gu = jnp.where(liota // GMF_D == u_g, gu128[...], 0.0) @ G8
    gi = jnp.where(liota // GMF_D == i_g, gi128[...], 0.0) @ G8
    mu = jnp.where(liota // MLP_D == u_m, mu128[...], 0.0) @ G16
    mi = jnp.where(liota // MLP_D == i_m, mi128[...], 0.0) @ G16
    gmf = gu * gi

    h = mu @ w1u[...] + mi @ w1i[...] + b1[...]
    h = jnp.maximum(h, 0.0)
    h = h @ w2[...] + b2[...]
    h = jnp.maximum(h, 0.0)
    logits = gmf @ wlg[...] + h @ wlh[...] + bl[...]
    out[...] = jax.nn.sigmoid(logits)


def kernel(user, item, gmf_user_emb, gmf_item_emb, mlp_user_emb, mlp_item_emb,
           W1, b1, W2, b2, Wl, bl):
    u32 = user.astype(jnp.int32)
    i32 = item.astype(jnp.int32)
    nw = B // 512
    idx_all = jnp.stack([
        (u32 // GMF_PACK).reshape(nw, 512),
        (i32 // GMF_PACK).reshape(nw, 512),
        (u32 // MLP_PACK).reshape(nw, 512),
        (i32 // MLP_PACK).reshape(nw, 512),
    ])
    gu_t = gmf_user_emb.reshape(-1, 128)
    gi_t = gmf_item_emb.reshape(-1, 128)
    mu_t = mlp_user_emb.reshape(-1, 128)
    mi_t = mlp_item_emb.reshape(-1, 128)

    gu128, gi128, mu128, mi128 = _gather_sc(idx_all, gu_t, gi_t, mu_t, mi_t)

    w1u = W1[:MLP_D]
    w1i = W1[MLP_D:]
    wlg = Wl[:GMF_D]
    wlh = Wl[GMF_D:]
    b1r = b1.reshape(1, -1)
    b2r = b2.reshape(1, -1)
    blr = bl.reshape(1, 1)
    u2d = u32.reshape(B, 1)
    i2d = i32.reshape(B, 1)

    n_blk = B // BLK
    out = pl.pallas_call(
        _head_tc_body,
        grid=(n_blk,),
        in_specs=[
            pl.BlockSpec((BLK, 1), lambda i: (i, 0)),
            pl.BlockSpec((BLK, 1), lambda i: (i, 0)),
            pl.BlockSpec((BLK, 128), lambda i: (i, 0)),
            pl.BlockSpec((BLK, 128), lambda i: (i, 0)),
            pl.BlockSpec((BLK, 128), lambda i: (i, 0)),
            pl.BlockSpec((BLK, 128), lambda i: (i, 0)),
            pl.BlockSpec((MLP_D, MLP_D), lambda i: (0, 0)),
            pl.BlockSpec((MLP_D, MLP_D), lambda i: (0, 0)),
            pl.BlockSpec((1, MLP_D), lambda i: (0, 0)),
            pl.BlockSpec((MLP_D, GMF_D), lambda i: (0, 0)),
            pl.BlockSpec((1, GMF_D), lambda i: (0, 0)),
            pl.BlockSpec((GMF_D, 1), lambda i: (0, 0)),
            pl.BlockSpec((GMF_D, 1), lambda i: (0, 0)),
            pl.BlockSpec((1, 1), lambda i: (0, 0)),
        ],
        out_specs=pl.BlockSpec((BLK, 1), lambda i: (i, 0)),
        out_shape=jax.ShapeDtypeStruct((B, 1), jnp.float32),
    )(u2d, i2d, gu128, gi128, mu128, mi128,
      w1u, w1i, b1r, W2, b2r, wlg, wlh, blr)
    return out.reshape(-1)

# --- scband reference (transcript-rebuilt; emitter-appended) ---
"""Pipeline reference for scband-neu-mf-12223476924638 (READ-ONLY COPY).

The authoritative reference and input builder live on the scoring server;
editing this copy changes nothing except your own understanding.
"""

import jax, jax.numpy as jnp
import numpy as np

NUM_USERS = 1000000
NUM_ITEMS = 1000000
NUM_FACTOR = 8
LAYER = [32, 16, 8]
BATCH = 16384
MLP_DIM = LAYER[0] // 2  # 16, standard NCF convention


def setup_inputs(seed: int = 0) -> dict:
    key = jax.random.key(seed)
    ks = jax.random.split(key, 12)
    user = jax.random.randint(ks[0], (BATCH,), 0, NUM_USERS, dtype=jnp.int32).astype(jnp.int64) if False else jax.random.randint(ks[0], (BATCH,), 0, NUM_USERS)
    item = jax.random.randint(ks[1], (BATCH,), 0, NUM_ITEMS)
    inp = {
        "user": user,
        "item": item,
        "gmf_user_emb": jax.random.normal(ks[2], (NUM_USERS, NUM_FACTOR), dtype=jnp.float32) * 0.01,
        "gmf_item_emb": jax.random.normal(ks[3], (NUM_ITEMS, NUM_FACTOR), dtype=jnp.float32) * 0.01,
        "mlp_user_emb": jax.random.normal(ks[4], (NUM_USERS, MLP_DIM), dtype=jnp.float32) * 0.01,
        "mlp_item_emb": jax.random.normal(ks[5], (NUM_ITEMS, MLP_DIM), dtype=jnp.float32) * 0.01,
        "W1": jax.random.normal(ks[6], (LAYER[0], LAYER[1]), dtype=jnp.float32) * 0.1,
        "b1": jnp.zeros((LAYER[1],), dtype=jnp.float32),
        "W2": jax.random.normal(ks[7], (LAYER[1], LAYER[2]), dtype=jnp.float32) * 0.1,
        "b2": jnp.zeros((LAYER[2],), dtype=jnp.float32),
        "Wl": jax.random.normal(ks[8], (NUM_FACTOR * 2, 1), dtype=jnp.float32) * 0.01,
        "bl": jnp.zeros((1,), dtype=jnp.float32),
    }
    return inp


def reference(user, item, gmf_user_emb, gmf_item_emb, mlp_user_emb, mlp_item_emb, W1, b1, W2, b2, Wl, bl):
    # GMF branch: elementwise product of user/item embeddings
    gu = jnp.take(gmf_user_emb, user, axis=0)
    gi = jnp.take(gmf_item_emb, item, axis=0)
    gmf_out = gu * gi  # [B, NUM_FACTOR]

    # MLP branch: concat embeddings -> Linear/ReLU tower (32 -> 16 -> 8)
    mu = jnp.take(mlp_user_emb, user, axis=0)
    mi = jnp.take(mlp_item_emb, item, axis=0)
    h = jnp.concatenate([mu, mi], axis=-1)  # [B, 32]
    h = jax.nn.relu(h @ W1 + b1)  # [B, 16]
    h = jax.nn.relu(h @ W2 + b2)  # [B, 8]

    # Fusion + final prediction layer
    before_last = jnp.concatenate([gmf_out, h], axis=-1)  # [B, 16]
    out = jax.nn.sigmoid(before_last @ Wl + bl)  # [B, 1]
    return out.reshape(-1)

if __name__ == "__main__":
    import jax
    _d = setup_inputs()
    print(jax.jit(kernel)(*tuple(_d.values())))

</pallas_src>

<mosaic_0001>
#map = affine_map<(d0, d1) -> (0, 0, 0)>
#map1 = affine_map<(d0, d1) -> (0, 0)>
module attributes {stable_mosaic.version = 14 : i64} {
  func.func @gather_kernel(%arg0: i32, %arg1: i32, %arg2: memref<4x32x512xi32, #tpu.memory_space<hbm>>, %arg3: memref<62500x128xf32, #tpu.memory_space<hbm>>, %arg4: memref<62500x128xf32, #tpu.memory_space<hbm>>, %arg5: memref<125000x128xf32, #tpu.memory_space<hbm>>, %arg6: memref<125000x128xf32, #tpu.memory_space<hbm>>, %arg7: memref<16384x128xf32, #tpu.memory_space<hbm>>, %arg8: memref<16384x128xf32, #tpu.memory_space<hbm>>, %arg9: memref<16384x128xf32, #tpu.memory_space<hbm>>, %arg10: memref<16384x128xf32, #tpu.memory_space<hbm>>, %arg11: memref<4x512xi32, #tpu.memory_space<vmem>>, %arg12: memref<128x128xf32, #tpu.memory_space<vmem>>, %arg13: memref<128x128xf32, #tpu.memory_space<vmem>>, %arg14: memref<128x128xf32, #tpu.memory_space<vmem>>, %arg15: memref<128x128xf32, #tpu.memory_space<vmem>>, %arg16: memref<!tpu.dma_semaphore, #tpu.memory_space<semaphore_mem>>) attributes {dimension_semantics = [#tpu.dimension_semantics<core_parallel>, #tpu.dimension_semantics<subcore_parallel>], iteration_bounds = array<i64: 2, 16>, scalar_prefetch = 0 : i64, scratch_operands = 6 : i64, tpu.core_type = #tpu.core_type<sc_vector_subcore>, window_params = [{transform_indices = #map}, {transform_indices = #map1}, {transform_indices = #map1}, {transform_indices = #map1}, {transform_indices = #map1}, {transform_indices = #map1}, {transform_indices = #map1}, {transform_indices = #map1}, {transform_indices = #map1}]} {
    %mul3A = arith.constant 2 : i32
    %mul3A_0 = arith.muli %arg1, %mul3A : i32
    %add3A = arith.addi %mul3A_0, %arg0 : i32
    %run_scoped3A = arith.constant 0 : i32
    %run_scoped3A_1 = arith.constant 0 : i32
    "tpu.region"() ({
      %run_scoped3A_294 = tpu.sem_alloc : memref<!tpu.dma_semaphore, #tpu.memory_space<semaphore_mem>>
      %dma_start3A_295 = arith.constant 0 : i32
      %dma_start3A_296 = tpu.memref_slice %arg11[%run_scoped3A_1, %dma_start3A_295] : memref<4x512xi32, #tpu.memory_space<vmem>> -> memref<1x512xi32, #tpu.memory_space<vmem>>
      %dma_start3A_297 = tpu.memref_squeeze %dma_start3A_296 : memref<1x512xi32, #tpu.memory_space<vmem>> -> memref<512xi32, #tpu.memory_space<vmem>>
      %dma_start3A_298 = arith.constant 0 : i32
      %dma_start3A_299 = tpu.memref_slice %arg2[%run_scoped3A, %add3A, %dma_start3A_298] : memref<4x32x512xi32, #tpu.memory_space<hbm>> -> memref<1x1x512xi32, #tpu.memory_space<hbm>>
      %dma_start3A_300 = tpu.memref_squeeze %dma_start3A_299 : memref<1x1x512xi32, #tpu.memory_space<hbm>> -> memref<512xi32, #tpu.memory_space<hbm>>
      %dma_start3A_301 = arith.constant 0 : i32
      %dma_start3A_302 = tpu.memref_slice %arg11[%run_scoped3A_1, %dma_start3A_301] : memref<4x512xi32, #tpu.memory_space<vmem>> -> memref<1x512xi32, #tpu.memory_space<vmem>>
      %dma_start3A_303 = tpu.memref_squeeze %dma_start3A_302 : memref<1x512xi32, #tpu.memory_space<vmem>> -> memref<512xi32, #tpu.memory_space<vmem>>
      %dma_start3A_304 = arith.constant 0 : i32
      %dma_start3A_305 = tpu.memref_slice %arg2[%run_scoped3A, %add3A, %dma_start3A_304] : memref<4x32x512xi32, #tpu.memory_space<hbm>> -> memref<1x1x512xi32, #tpu.memory_space<hbm>>
      %dma_start3A_306 = tpu.memref_squeeze %dma_start3A_305 : memref<1x1x512xi32, #tpu.memory_space<hbm>> -> memref<512xi32, #tpu.memory_space<hbm>>
      tpu.enqueue_dma source(%dma_start3A_306 : memref<512xi32, #tpu.memory_space<hbm>>) target(%dma_start3A_303 : memref<512xi32, #tpu.memory_space<vmem>>) target_semaphore(%run_scoped3A_294 : memref<!tpu.dma_semaphore, #tpu.memory_space<semaphore_mem>>)
      %dma_wait3A_307 = arith.constant 0 : i32
      %dma_wait3A_308 = tpu.memref_slice %arg11[%run_scoped3A_1, %dma_wait3A_307] : memref<4x512xi32, #tpu.memory_space<vmem>> -> memref<1x512xi32, #tpu.memory_space<vmem>>
      %dma_wait3A_309 = tpu.memref_squeeze %dma_wait3A_308 : memref<1x512xi32, #tpu.memory_space<vmem>> -> memref<512xi32, #tpu.memory_space<vmem>>
      %dma_wait3A_310 = arith.constant 0 : i32
      %dma_wait3A_311 = tpu.memref_slice %arg2[%run_scoped3A, %add3A, %dma_wait3A_310] : memref<4x32x512xi32, #tpu.memory_space<hbm>> -> memref<1x1x512xi32, #tpu.memory_space<hbm>>
      %dma_wait3A_312 = tpu.memref_squeeze %dma_wait3A_311 : memref<1x1x512xi32, #tpu.memory_space<hbm>> -> memref<512xi32, #tpu.memory_space<hbm>>
      %dma_wait3A_313 = arith.constant 0 : i32
      %dma_wait3A_314 = tpu.memref_slice %arg11[%run_scoped3A_1, %dma_wait3A_313] : memref<4x512xi32, #tpu.memory_space<vmem>> -> memref<1x512xi32, #tpu.memory_space<vmem>>
      %dma_wait3A_315 = tpu.memref_squeeze %dma_wait3A_314 : memref<1x512xi32, #tpu.memory_space<vmem>> -> memref<512xi32, #tpu.memory_space<vmem>>
      %dma_wait3A_316 = arith.constant 0 : i32
      %dma_wait3A_317 = tpu.memref_slice %arg2[%run_scoped3A, %add3A, %dma_wait3A_316] : memref<4x32x512xi32, #tpu.memory_space<hbm>> -> memref<1x1x512xi32, #tpu.memory_space<hbm>>
      %dma_wait3A_318 = tpu.memref_squeeze %dma_wait3A_317 : memref<1x1x512xi32, #tpu.memory_space<hbm>> -> memref<512xi32, #tpu.memory_space<hbm>>
      tpu.wait_dma2 semaphore(%run_scoped3A_294 : memref<!tpu.dma_semaphore, #tpu.memory_space<semaphore_mem>>) src(%dma_wait3A_318 : memref<512xi32, #tpu.memory_space<hbm>>) dst(%dma_wait3A_315 : memref<512xi32, #tpu.memory_space<vmem>>)
      tpu.yield
    }) : () -> ()
    %run_scoped3A_2 = arith.constant 1 : i32
    %run_scoped3A_3 = arith.constant 1 : i32
    "tpu.region"() ({
      %run_scoped3A_294 = tpu.sem_alloc : memref<!tpu.dma_semaphore, #tpu.memory_space<semaphore_mem>>
      %dma_start3A_295 = arith.constant 0 : i32
      %dma_start3A_296 = tpu.memref_slice %arg11[%run_scoped3A_3, %dma_start3A_295] : memref<4x512xi32, #tpu.memory_space<vmem>> -> memref<1x512xi32, #tpu.memory_space<vmem>>
      %dma_start3A_297 = tpu.memref_squeeze %dma_start3A_296 : memref<1x512xi32, #tpu.memory_space<vmem>> -> memref<512xi32, #tpu.memory_space<vmem>>
      %dma_start3A_298 = arith.constant 0 : i32
      %dma_start3A_299 = tpu.memref_slice %arg2[%run_scoped3A_2, %add3A, %dma_start3A_298] : memref<4x32x512xi32, #tpu.memory_space<hbm>> -> memref<1x1x512xi32, #tpu.memory_space<hbm>>
      %dma_start3A_300 = tpu.memref_squeeze %dma_start3A_299 : memref<1x1x512xi32, #tpu.memory_space<hbm>> -> memref<512xi32, #tpu.memory_space<hbm>>
      %dma_start3A_301 = arith.constant 0 : i32
      %dma_start3A_302 = tpu.memref_slice %arg11[%run_scoped3A_3, %dma_start3A_301] : memref<4x512xi32, #tpu.memory_space<vmem>> -> memref<1x512xi32, #tpu.memory_space<vmem>>
      %dma_start3A_303 = tpu.memref_squeeze %dma_start3A_302 : memref<1x512xi32, #tpu.memory_space<vmem>> -> memref<512xi32, #tpu.memory_space<vmem>>
      %dma_start3A_304 = arith.constant 0 : i32
      %dma_start3A_305 = tpu.memref_slice %arg2[%run_scoped3A_2, %add3A, %dma_start3A_304] : memref<4x32x512xi32, #tpu.memory_space<hbm>> -> memref<1x1x512xi32, #tpu.memory_space<hbm>>
      %dma_start3A_306 = tpu.memref_squeeze %dma_start3A_305 : memref<1x1x512xi32, #tpu.memory_space<hbm>> -> memref<512xi32, #tpu.memory_space<hbm>>
      tpu.enqueue_dma source(%dma_start3A_306 : memref<512xi32, #tpu.memory_space<hbm>>) target(%dma_start3A_303 : memref<512xi32, #tpu.memory_space<vmem>>) target_semaphore(%run_scoped3A_294 : memref<!tpu.dma_semaphore, #tpu.memory_space<semaphore_mem>>)
      %dma_wait3A_307 = arith.constant 0 : i32
      %dma_wait3A_308 = tpu.memref_slice %arg11[%run_scoped3A_3, %dma_wait3A_307] : memref<4x512xi32, #tpu.memory_space<vmem>> -> memref<1x512xi32, #tpu.memory_space<vmem>>
      %dma_wait3A_309 = tpu.memref_squeeze %dma_wait3A_308 : memref<1x512xi32, #tpu.memory_space<vmem>> -> memref<512xi32, #tpu.memory_space<vmem>>
      %dma_wait3A_310 = arith.constant 0 : i32
      %dma_wait3A_311 = tpu.memref_slice %arg2[%run_scoped3A_2, %add3A, %dma_wait3A_310] : memref<4x32x512xi32, #tpu.memory_space<hbm>> -> memref<1x1x512xi32, #tpu.memory_space<hbm>>
      %dma_wait3A_312 = tpu.memref_squeeze %dma_wait3A_311 : memref<1x1x512xi32, #tpu.memory_space<hbm>> -> memref<512xi32, #tpu.memory_space<hbm>>
      %dma_wait3A_313 = arith.constant 0 : i32
      %dma_wait3A_314 = tpu.memref_slice %arg11[%run_scoped3A_3, %dma_wait3A_313] : memref<4x512xi32, #tpu.memory_space<vmem>> -> memref<1x512xi32, #tpu.memory_space<vmem>>
      %dma_wait3A_315 = tpu.memref_squeeze %dma_wait3A_314 : memref<1x512xi32, #tpu.memory_space<vmem>> -> memref<512xi32, #tpu.memory_space<vmem>>
      %dma_wait3A_316 = arith.constant 0 : i32
      %dma_wait3A_317 = tpu.memref_slice %arg2[%run_scoped3A_2, %add3A, %dma_wait3A_316] : memref<4x32x512xi32, #tpu.memory_space<hbm>> -> memref<1x1x512xi32, #tpu.memory_space<hbm>>
      %dma_wait3A_318 = tpu.memref_squeeze %dma_wait3A_317 : memref<1x1x512xi32, #tpu.memory_space<hbm>> -> memref<512xi32, #tpu.memory_space<hbm>>
      tpu.wait_dma2 semaphore(%run_scoped3A_294 : memref<!tpu.dma_semaphore, #tpu.memory_space<semaphore_mem>>) src(%dma_wait3A_318 : memref<512xi32, #tpu.memory_space<hbm>>) dst(%dma_wait3A_315 : memref<512xi32, #tpu.memory_space<vmem>>)
      tpu.yield
    }) : () -> ()
    %run_scoped3A_4 = arith.constant 2 : i32
    %run_scoped3A_5 = arith.constant 2 : i32
    "tpu.region"() ({
      %run_scoped3A_294 = tpu.sem_alloc : memref<!tpu.dma_semaphore, #tpu.memory_space<semaphore_mem>>
      %dma_start3A_295 = arith.constant 0 : i32
      %dma_start3A_296 = tpu.memref_slice %arg11[%run_scoped3A_5, %dma_start3A_295] : memref<4x512xi32, #tpu.memory_space<vmem>> -> memref<1x512xi32, #tpu.memory_space<vmem>>
      %dma_start3A_297 = tpu.memref_squeeze %dma_start3A_296 : memref<1x512xi32, #tpu.memory_space<vmem>> -> memref<512xi32, #tpu.memory_space<vmem>>
      %dma_start3A_298 = arith.constant 0 : i32
      %dma_start3A_299 = tpu.memref_slice %arg2[%run_scoped3A_4, %add3A, %dma_start3A_298] : memref<4x32x512xi32, #tpu.memory_space<hbm>> -> memref<1x1x512xi32, #tpu.memory_space<hbm>>
      %dma_start3A_300 = tpu.memref_squeeze %dma_start3A_299 : memref<1x1x512xi32, #tpu.memory_space<hbm>> -> memref<512xi32, #tpu.memory_space<hbm>>
      %dma_start3A_301 = arith.constant 0 : i32
      %dma_start3A_302 = tpu.memref_slice %arg11[%run_scoped3A_5, %dma_start3A_301] : memref<4x512xi32, #tpu.memory_space<vmem>> -> memref<1x512xi32, #tpu.memory_space<vmem>>
      %dma_start3A_303 = tpu.memref_squeeze %dma_start3A_302 : memref<1x512xi32, #tpu.memory_space<vmem>> -> memref<512xi32, #tpu.memory_space<vmem>>
      %dma_start3A_304 = arith.constant 0 : i32
      %dma_start3A_305 = tpu.memref_slice %arg2[%run_scoped3A_4, %add3A, %dma_start3A_304] : memref<4x32x512xi32, #tpu.memory_space<hbm>> -> memref<1x1x512xi32, #tpu.memory_space<hbm>>
      %dma_start3A_306 = tpu.memref_squeeze %dma_start3A_305 : memref<1x1x512xi32, #tpu.memory_space<hbm>> -> memref<512xi32, #tpu.memory_space<hbm>>
      tpu.enqueue_dma source(%dma_start3A_306 : memref<512xi32, #tpu.memory_space<hbm>>) target(%dma_start3A_303 : memref<512xi32, #tpu.memory_space<vmem>>) target_semaphore(%run_scoped3A_294 : memref<!tpu.dma_semaphore, #tpu.memory_space<semaphore_mem>>)
      %dma_wait3A_307 = arith.constant 0 : i32
      %dma_wait3A_308 = tpu.memref_slice %arg11[%run_scoped3A_5, %dma_wait3A_307] : memref<4x512xi32, #tpu.memory_space<vmem>> -> memref<1x512xi32, #tpu.memory_space<vmem>>
      %dma_wait3A_309 = tpu.memref_squeeze %dma_wait3A_308 : memref<1x512xi32, #tpu.memory_space<vmem>> -> memref<512xi32, #tpu.memory_space<vmem>>
      %dma_wait3A_310 = arith.constant 0 : i32
      %dma_wait3A_311 = tpu.memref_slice %arg2[%run_scoped3A_4, %add3A, %dma_wait3A_310] : memref<4x32x512xi32, #tpu.memory_space<hbm>> -> memref<1x1x512xi32, #tpu.memory_space<hbm>>
      %dma_wait3A_312 = tpu.memref_squeeze %dma_wait3A_311 : memref<1x1x512xi32, #tpu.memory_space<hbm>> -> memref<512xi32, #tpu.memory_space<hbm>>
      %dma_wait3A_313 = arith.constant 0 : i32
      %dma_wait3A_314 = tpu.memref_slice %arg11[%run_scoped3A_5, %dma_wait3A_313] : memref<4x512xi32, #tpu.memory_space<vmem>> -> memref<1x512xi32, #tpu.memory_space<vmem>>
      %dma_wait3A_315 = tpu.memref_squeeze %dma_wait3A_314 : memref<1x512xi32, #tpu.memory_space<vmem>> -> memref<512xi32, #tpu.memory_space<vmem>>
      %dma_wait3A_316 = arith.constant 0 : i32
      %dma_wait3A_317 = tpu.memref_slice %arg2[%run_scoped3A_4, %add3A, %dma_wait3A_316] : memref<4x32x512xi32, #tpu.memory_space<hbm>> -> memref<1x1x512xi32, #tpu.memory_space<hbm>>
      %dma_wait3A_318 = tpu.memref_squeeze %dma_wait3A_317 : memref<1x1x512xi32, #tpu.memory_space<hbm>> -> memref<512xi32, #tpu.memory_space<hbm>>
      tpu.wait_dma2 semaphore(%run_scoped3A_294 : memref<!tpu.dma_semaphore, #tpu.memory_space<semaphore_mem>>) src(%dma_wait3A_318 : memref<512xi32, #tpu.memory_space<hbm>>) dst(%dma_wait3A_315 : memref<512xi32, #tpu.memory_space<vmem>>)
      tpu.yield
    }) : () -> ()
    %run_scoped3A_6 = arith.constant 3 : i32
    %run_scoped3A_7 = arith.constant 3 : i32
    "tpu.region"() ({
      %run_scoped3A_294 = tpu.sem_alloc : memref<!tpu.dma_semaphore, #tpu.memory_space<semaphore_mem>>
      %dma_start3A_295 = arith.constant 0 : i32
      %dma_start3A_296 = tpu.memref_slice %arg11[%run_scoped3A_7, %dma_start3A_295] : memref<4x512xi32, #tpu.memory_space<vmem>> -> memref<1x512xi32, #tpu.memory_space<vmem>>
      %dma_start3A_297 = tpu.memref_squeeze %dma_start3A_296 : memref<1x512xi32, #tpu.memory_space<vmem>> -> memref<512xi32, #tpu.memory_space<vmem>>
      %dma_start3A_298 = arith.constant 0 : i32
      %dma_start3A_299 = tpu.memref_slice %arg2[%run_scoped3A_6, %add3A, %dma_start3A_298] : memref<4x32x512xi32, #tpu.memory_space<hbm>> -> memref<1x1x512xi32, #tpu.memory_space<hbm>>
      %dma_start3A_300 = tpu.memref_squeeze %dma_start3A_299 : memref<1x1x512xi32, #tpu.memory_space<hbm>> -> memref<512xi32, #tpu.memory_space<hbm>>
      %dma_start3A_301 = arith.constant 0 : i32
      %dma_start3A_302 = tpu.memref_slice %arg11[%run_scoped3A_7, %dma_start3A_301] : memref<4x512xi32, #tpu.memory_space<vmem>> -> memref<1x512xi32, #tpu.memory_space<vmem>>
      %dma_start3A_303 = tpu.memref_squeeze %dma_start3A_302 : memref<1x512xi32, #tpu.memory_space<vmem>> -> memref<512xi32, #tpu.memory_space<vmem>>
      %dma_start3A_304 = arith.constant 0 : i32
      %dma_start3A_305 = tpu.memref_slice %arg2[%run_scoped3A_6, %add3A, %dma_start3A_304] : memref<4x32x512xi32, #tpu.memory_space<hbm>> -> memref<1x1x512xi32, #tpu.memory_space<hbm>>
      %dma_start3A_306 = tpu.memref_squeeze %dma_start3A_305 : memref<1x1x512xi32, #tpu.memory_space<hbm>> -> memref<512xi32, #tpu.memory_space<hbm>>
      tpu.enqueue_dma source(%dma_start3A_306 : memref<512xi32, #tpu.memory_space<hbm>>) target(%dma_start3A_303 : memref<512xi32, #tpu.memory_space<vmem>>) target_semaphore(%run_scoped3A_294 : memref<!tpu.dma_semaphore, #tpu.memory_space<semaphore_mem>>)
      %dma_wait3A_307 = arith.constant 0 : i32
      %dma_wait3A_308 = tpu.memref_slice %arg11[%run_scoped3A_7, %dma_wait3A_307] : memref<4x512xi32, #tpu.memory_space<vmem>> -> memref<1x512xi32, #tpu.memory_space<vmem>>
      %dma_wait3A_309 = tpu.memref_squeeze %dma_wait3A_308 : memref<1x512xi32, #tpu.memory_space<vmem>> -> memref<512xi32, #tpu.memory_space<vmem>>
      %dma_wait3A_310 = arith.constant 0 : i32
      %dma_wait3A_311 = tpu.memref_slice %arg2[%run_scoped3A_6, %add3A, %dma_wait3A_310] : memref<4x32x512xi32, #tpu.memory_space<hbm>> -> memref<1x1x512xi32, #tpu.memory_space<hbm>>
      %dma_wait3A_312 = tpu.memref_squeeze %dma_wait3A_311 : memref<1x1x512xi32, #tpu.memory_space<hbm>> -> memref<512xi32, #tpu.memory_space<hbm>>
      %dma_wait3A_313 = arith.constant 0 : i32
      %dma_wait3A_314 = tpu.memref_slice %arg11[%run_scoped3A_7, %dma_wait3A_313] : memref<4x512xi32, #tpu.memory_space<vmem>> -> memref<1x512xi32, #tpu.memory_space<vmem>>
      %dma_wait3A_315 = tpu.memref_squeeze %dma_wait3A_314 : memref<1x512xi32, #tpu.memory_space<vmem>> -> memref<512xi32, #tpu.memory_space<vmem>>
      %dma_wait3A_316 = arith.constant 0 : i32
      %dma_wait3A_317 = tpu.memref_slice %arg2[%run_scoped3A_6, %add3A, %dma_wait3A_316] : memref<4x32x512xi32, #tpu.memory_space<hbm>> -> memref<1x1x512xi32, #tpu.memory_space<hbm>>
      %dma_wait3A_318 = tpu.memref_squeeze %dma_wait3A_317 : memref<1x1x512xi32, #tpu.memory_space<hbm>> -> memref<512xi32, #tpu.memory_space<hbm>>
      tpu.wait_dma2 semaphore(%run_scoped3A_294 : memref<!tpu.dma_semaphore, #tpu.memory_space<semaphore_mem>>) src(%dma_wait3A_318 : memref<512xi32, #tpu.memory_space<hbm>>) dst(%dma_wait3A_315 : memref<512xi32, #tpu.memory_space<vmem>>)
      tpu.yield
    }) : () -> ()
    %dma_start3A = arith.constant 0 : i32
    %dma_start3A_8 = arith.constant 0 : i32
    %dma_start3A_9 = tpu.memref_slice %arg11[%dma_start3A, %dma_start3A_8] : memref<4x512xi32, #tpu.memory_space<vmem>> -> memref<1x128xi32, #tpu.memory_space<vmem>>
    %dma_start3A_10 = tpu.memref_squeeze %dma_start3A_9 : memref<1x128xi32, #tpu.memory_space<vmem>> -> memref<128xi32, #tpu.memory_space<vmem>>
    %dma_start3A_11 = arith.constant 0 : i32
    %dma_start3A_12 = arith.constant 0 : i32
    %dma_start3A_13 = tpu.memref_slice %arg3[%dma_start3A_11, %dma_start3A_12] : memref<62500x128xf32, #tpu.memory_space<hbm>> -> memref<62500x128xf32, #tpu.memory_space<hbm>>
    tpu.enqueue_indirect_dma source(%dma_start3A_13 : memref<62500x128xf32, #tpu.memory_space<hbm>>) target(%arg12 : memref<128x128xf32, #tpu.memory_space<vmem>>) offsets(%dma_start3A_10 : memref<128xi32, #tpu.memory_space<vmem>>) semaphore(%arg16 : memref<!tpu.dma_semaphore, #tpu.memory_space<semaphore_mem>>)
    %dma_start3A_14 = arith.constant 1 : i32
    %dma_start3A_15 = arith.constant 0 : i32
    %dma_start3A_16 = tpu.memref_slice %arg11[%dma_start3A_14, %dma_start3A_15] : memref<4x512xi32, #tpu.memory_space<vmem>> -> memref<1x128xi32, #tpu.memory_space<vmem>>
    %dma_start3A_17 = tpu.memref_squeeze %dma_start3A_16 : memref<1x128xi32, #tpu.memory_space<vmem>> -> memref<128xi32, #tpu.memory_space<vmem>>
    %dma_start3A_18 = arith.constant 0 : i32
    %dma_start3A_19 = arith.constant 0 : i32
    %dma_start3A_20 = tpu.memref_slice %arg4[%dma_start3A_18, %dma_start3A_19] : memref<62500x128xf32, #tpu.memory_space<hbm>> -> memref<62500x128xf32, #tpu.memory_space<hbm>>
    tpu.enqueue_indirect_dma source(%dma_start3A_20 : memref<62500x128xf32, #tpu.memory_space<hbm>>) target(%arg13 : memref<128x128xf32, #tpu.memory_space<vmem>>) offsets(%dma_start3A_17 : memref<128xi32, #tpu.memory_space<vmem>>) semaphore(%arg16 : memref<!tpu.dma_semaphore, #tpu.memory_space<semaphore_mem>>)
    %dma_start3A_21 = arith.constant 2 : i32
    %dma_start3A_22 = arith.constant 0 : i32
    %dma_start3A_23 = tpu.memref_slice %arg11[%dma_start3A_21, %dma_start3A_22] : memref<4x512xi32, #tpu.memory_space<vmem>> -> memref<1x128xi32, #tpu.memory_space<vmem>>
    %dma_start3A_24 = tpu.memref_squeeze %dma_start3A_23 : memref<1x128xi32, #tpu.memory_space<vmem>> -> memref<128xi32, #tpu.memory_space<vmem>>
    %dma_start3A_25 = arith.constant 0 : i32
    %dma_start3A_26 = arith.constant 0 : i32
    %dma_start3A_27 = tpu.memref_slice %arg5[%dma_start3A_25, %dma_start3A_26] : memref<125000x128xf32, #tpu.memory_space<hbm>> -> memref<125000x128xf32, #tpu.memory_space<hbm>>
    tpu.enqueue_indirect_dma source(%dma_start3A_27 : memref<125000x128xf32, #tpu.memory_space<hbm>>) target(%arg14 : memref<128x128xf32, #tpu.memory_space<vmem>>) offsets(%dma_start3A_24 : memref<128xi32, #tpu.memory_space<vmem>>) semaphore(%arg16 : memref<!tpu.dma_semaphore, #tpu.memory_space<semaphore_mem>>)
    %dma_start3A_28 = arith.constant 3 : i32
    %dma_start3A_29 = arith.constant 0 : i32
    %dma_start3A_30 = tpu.memref_slice %arg11[%dma_start3A_28, %dma_start3A_29] : memref<4x512xi32, #tpu.memory_space<vmem>> -> memref<1x128xi32, #tpu.memory_space<vmem>>
    %dma_start3A_31 = tpu.memref_squeeze %dma_start3A_30 : memref<1x128xi32, #tpu.memory_space<vmem>> -> memref<128xi32, #tpu.memory_space<vmem>>
    %dma_start3A_32 = arith.constant 0 : i32
    %dma_start3A_33 = arith.constant 0 : i32
    %dma_start3A_34 = tpu.memref_slice %arg6[%dma_start3A_32, %dma_start3A_33] : memref<125000x128xf32, #tpu.memory_space<hbm>> -> memref<125000x128xf32, #tpu.memory_space<hbm>>
    tpu.enqueue_indirect_dma source(%dma_start3A_34 : memref<125000x128xf32, #tpu.memory_space<hbm>>) target(%arg15 : memref<128x128xf32, #tpu.memory_space<vmem>>) offsets(%dma_start3A_31 : memref<128xi32, #tpu.memory_space<vmem>>) semaphore(%arg16 : memref<!tpu.dma_semaphore, #tpu.memory_space<semaphore_mem>>)
    %dma_wait3A = arith.constant 0 : i32
    %dma_wait3A_35 = arith.constant 0 : i32
    %dma_wait3A_36 = tpu.memref_slice %arg11[%dma_wait3A, %dma_wait3A_35] : memref<4x512xi32, #tpu.memory_space<vmem>> -> memref<1x128xi32, #tpu.memory_space<vmem>>
    %dma_wait3A_37 = tpu.memref_squeeze %dma_wait3A_36 : memref<1x128xi32, #tpu.memory_space<vmem>> -> memref<128xi32, #tpu.memory_space<vmem>>
    %dma_wait3A_38 = arith.constant 0 : i32
    %dma_wait3A_39 = arith.constant 0 : i32
    %dma_wait3A_40 = tpu.memref_slice %arg3[%dma_wait3A_38, %dma_wait3A_39] : memref<62500x128xf32, #tpu.memory_space<hbm>> -> memref<62500x128xf32, #tpu.memory_space<hbm>>
    tpu.wait_indirect_dma semaphore(%arg16 : memref<!tpu.dma_semaphore, #tpu.memory_space<semaphore_mem>>) src(%dma_wait3A_40 : memref<62500x128xf32, #tpu.memory_space<hbm>>) dst(%arg12 : memref<128x128xf32, #tpu.memory_space<vmem>>)
    %dma_wait3A_41 = arith.constant 1 : i32
    %dma_wait3A_42 = arith.constant 0 : i32
    %dma_wait3A_43 = tpu.memref_slice %arg11[%dma_wait3A_41, %dma_wait3A_42] : memref<4x512xi32, #tpu.memory_space<vmem>> -> memref<1x128xi32, #tpu.memory_space<vmem>>
    %dma_wait3A_44 = tpu.memref_squeeze %dma_wait3A_43 : memref<1x128xi32, #tpu.memory_space<vmem>> -> memref<128xi32, #tpu.memory_space<vmem>>
    %dma_wait3A_45 = arith.constant 0 : i32
    %dma_wait3A_46 = arith.constant 0 : i32
    %dma_wait3A_47 = tpu.memref_slice %arg4[%dma_wait3A_45, %dma_wait3A_46] : memref<62500x128xf32, #tpu.memory_space<hbm>> -> memref<62500x128xf32, #tpu.memory_space<hbm>>
    tpu.wait_indirect_dma semaphore(%arg16 : memref<!tpu.dma_semaphore, #tpu.memory_space<semaphore_mem>>) src(%dma_wait3A_47 : memref<62500x128xf32, #tpu.memory_space<hbm>>) dst(%arg13 : memref<128x128xf32, #tpu.memory_space<vmem>>)
    %dma_wait3A_48 = arith.constant 2 : i32
    %dma_wait3A_49 = arith.constant 0 : i32
    %dma_wait3A_50 = tpu.memref_slice %arg11[%dma_wait3A_48, %dma_wait3A_49] : memref<4x512xi32, #tpu.memory_space<vmem>> -> memref<1x128xi32, #tpu.memory_space<vmem>>
    %dma_wait3A_51 = tpu.memref_squeeze %dma_wait3A_50 : memref<1x128xi32, #tpu.memory_space<vmem>> -> memref<128xi32, #tpu.memory_space<vmem>>
    %dma_wait3A_52 = arith.constant 0 : i32
    %dma_wait3A_53 = arith.constant 0 : i32
    %dma_wait3A_54 = tpu.memref_slice %arg5[%dma_wait3A_52, %dma_wait3A_53] : memref<125000x128xf32, #tpu.memory_space<hbm>> -> memref<125000x128xf32, #tpu.memory_space<hbm>>
    tpu.wait_indirect_dma semaphore(%arg16 : memref<!tpu.dma_semaphore, #tpu.memory_space<semaphore_mem>>) src(%dma_wait3A_54 : memref<125000x128xf32, #tpu.memory_space<hbm>>) dst(%arg14 : memref<128x128xf32, #tpu.memory_space<vmem>>)
    %dma_wait3A_55 = arith.constant 3 : i32
    %dma_wait3A_56 = arith.constant 0 : i32
    %dma_wait3A_57 = tpu.memref_slice %arg11[%dma_wait3A_55, %dma_wait3A_56] : memref<4x512xi32, #tpu.memory_space<vmem>> -> memref<1x128xi32, #tpu.memory_space<vmem>>
    %dma_wait3A_58 = tpu.memref_squeeze %dma_wait3A_57 : memref<1x128xi32, #tpu.memory_space<vmem>> -> memref<128xi32, #tpu.memory_space<vmem>>
    %dma_wait3A_59 = arith.constant 0 : i32
    %dma_wait3A_60 = arith.constant 0 : i32
    %dma_wait3A_61 = tpu.memref_slice %arg6[%dma_wait3A_59, %dma_wait3A_60] : memref<125000x128xf32, #tpu.memory_space<hbm>> -> memref<125000x128xf32, #tpu.memory_space<hbm>>
    tpu.wait_indirect_dma semaphore(%arg16 : memref<!tpu.dma_semaphore, #tpu.memory_space<semaphore_mem>>) src(%dma_wait3A_61 : memref<125000x128xf32, #tpu.memory_space<hbm>>) dst(%arg15 : memref<128x128xf32, #tpu.memory_space<vmem>>)
    %mul3A_62 = arith.constant 512 : i32
    %mul3A_63 = arith.muli %add3A, %mul3A_62 : i32
    %add3A_64 = arith.constant 0 : i32
    %add3A_65 = arith.addi %mul3A_63, %add3A_64 : i32
    "tpu.region"() ({
      %run_scoped3A_294 = tpu.sem_alloc : memref<!tpu.dma_semaphore, #tpu.memory_space<semaphore_mem>>
      %dma_start3A_295 = arith.constant 0 : i32
      %dma_start3A_296 = tpu.memref_slice %arg7[%add3A_65, %dma_start3A_295] : memref<16384x128xf32, #tpu.memory_space<hbm>> -> memref<128x128xf32, #tpu.memory_space<hbm>>
      %dma_start3A_297 = arith.constant 0 : i32
      %dma_start3A_298 = tpu.memref_slice %arg7[%add3A_65, %dma_start3A_297] : memref<16384x128xf32, #tpu.memory_space<hbm>> -> memref<128x128xf32, #tpu.memory_space<hbm>>
      tpu.enqueue_dma source(%arg12 : memref<128x128xf32, #tpu.memory_space<vmem>>) target(%dma_start3A_298 : memref<128x128xf32, #tpu.memory_space<hbm>>) target_semaphore(%run_scoped3A_294 : memref<!tpu.dma_semaphore, #tpu.memory_space<semaphore_mem>>)
      %dma_wait3A_299 = arith.constant 0 : i32
      %dma_wait3A_300 = tpu.memref_slice %arg7[%add3A_65, %dma_wait3A_299] : memref<16384x128xf32, #tpu.memory_space<hbm>> -> memref<128x128xf32, #tpu.memory_space<hbm>>
      %dma_wait3A_301 = arith.constant 0 : i32
      %dma_wait3A_302 = tpu.memref_slice %arg7[%add3A_65, %dma_wait3A_301] : memref<16384x128xf32, #tpu.memory_space<hbm>> -> memref<128x128xf32, #tpu.memory_space<hbm>>
      tpu.wait_dma2 semaphore(%run_scoped3A_294 : memref<!tpu.dma_semaphore, #tpu.memory_space<semaphore_mem>>) src(%arg12 : memref<128x128xf32, #tpu.memory_space<vmem>>) dst(%dma_wait3A_302 : memref<128x128xf32, #tpu.memory_space<hbm>>)
      tpu.yield
    }) : () -> ()
    %mul3A_66 = arith.constant 512 : i32
    %mul3A_67 = arith.muli %add3A, %mul3A_66 : i32
    %add3A_68 = arith.constant 0 : i32
    %add3A_69 = arith.addi %mul3A_67, %add3A_68 : i32
    "tpu.region"() ({
      %run_scoped3A_294 = tpu.sem_alloc : memref<!tpu.dma_semaphore, #tpu.memory_space<semaphore_mem>>
      %dma_start3A_295 = arith.constant 0 : i32
      %dma_start3A_296 = tpu.memref_slice %arg8[%add3A_69, %dma_start3A_295] : memref<16384x128xf32, #tpu.memory_space<hbm>> -> memref<128x128xf32, #tpu.memory_space<hbm>>
      %dma_start3A_297 = arith.constant 0 : i32
      %dma_start3A_298 = tpu.memref_slice %arg8[%add3A_69, %dma_start3A_297] : memref<16384x128xf32, #tpu.memory_space<hbm>> -> memref<128x128xf32, #tpu.memory_space<hbm>>
      tpu.enqueue_dma source(%arg13 : memref<128x128xf32, #tpu.memory_space<vmem>>) target(%dma_start3A_298 : memref<128x128xf32, #tpu.memory_space<hbm>>) target_semaphore(%run_scoped3A_294 : memref<!tpu.dma_semaphore, #tpu.memory_space<semaphore_mem>>)
      %dma_wait3A_299 = arith.constant 0 : i32
      %dma_wait3A_300 = tpu.memref_slice %arg8[%add3A_69, %dma_wait3A_299] : memref<16384x128xf32, #tpu.memory_space<hbm>> -> memref<128x128xf32, #tpu.memory_space<hbm>>
      %dma_wait3A_301 = arith.constant 0 : i32
      %dma_wait3A_302 = tpu.memref_slice %arg8[%add3A_69, %dma_wait3A_301] : memref<16384x128xf32, #tpu.memory_space<hbm>> -> memref<128x128xf32, #tpu.memory_space<hbm>>
      tpu.wait_dma2 semaphore(%run_scoped3A_294 : memref<!tpu.dma_semaphore, #tpu.memory_space<semaphore_mem>>) src(%arg13 : memref<128x128xf32, #tpu.memory_space<vmem>>) dst(%dma_wait3A_302 : memref<128x128xf32, #tpu.memory_space<hbm>>)
      tpu.yield
    }) : () -> ()
    %mul3A_70 = arith.constant 512 : i32
    %mul3A_71 = arith.muli %add3A, %mul3A_70 : i32
    %add3A_72 = arith.constant 0 : i32
    %add3A_73 = arith.addi %mul3A_71, %add3A_72 : i32
    "tpu.region"() ({
      %run_scoped3A_294 = tpu.sem_alloc : memref<!tpu.dma_semaphore, #tpu.memory_space<semaphore_mem>>
      %dma_start3A_295 = arith.constant 0 : i32
      %dma_start3A_296 = tpu.memref_slice %arg9[%add3A_73, %dma_start3A_295] : memref<16384x128xf32, #tpu.memory_space<hbm>> -> memref<128x128xf32, #tpu.memory_space<hbm>>
      %dma_start3A_297 = arith.constant 0 : i32
      %dma_start3A_298 = tpu.memref_slice %arg9[%add3A_73, %dma_start3A_297] : memref<16384x128xf32, #tpu.memory_space<hbm>> -> memref<128x128xf32, #tpu.memory_space<hbm>>
      tpu.enqueue_dma source(%arg14 : memref<128x128xf32, #tpu.memory_space<vmem>>) target(%dma_start3A_298 : memref<128x128xf32, #tpu.memory_space<hbm>>) target_semaphore(%run_scoped3A_294 : memref<!tpu.dma_semaphore, #tpu.memory_space<semaphore_mem>>)
      %dma_wait3A_299 = arith.constant 0 : i32
      %dma_wait3A_300 = tpu.memref_slice %arg9[%add3A_73, %dma_wait3A_299] : memref<16384x128xf32, #tpu.memory_space<hbm>> -> memref<128x128xf32, #tpu.memory_space<hbm>>
      %dma_wait3A_301 = arith.constant 0 : i32
      %dma_wait3A_302 = tpu.memref_slice %arg9[%add3A_73, %dma_wait3A_301] : memref<16384x128xf32, #tpu.memory_space<hbm>> -> memref<128x128xf32, #tpu.memory_space<hbm>>
      tpu.wait_dma2 semaphore(%run_scoped3A_294 : memref<!tpu.dma_semaphore, #tpu.memory_space<semaphore_mem>>) src(%arg14 : memref<128x128xf32, #tpu.memory_space<vmem>>) dst(%dma_wait3A_302 : memref<128x128xf32, #tpu.memory_space<hbm>>)
      tpu.yield
    }) : () -> ()
    %mul3A_74 = arith.constant 512 : i32
    %mul3A_75 = arith.muli %add3A, %mul3A_74 : i32
    %add3A_76 = arith.constant 0 : i32
    %add3A_77 = arith.addi %mul3A_75, %add3A_76 : i32
    "tpu.region"() ({
      %run_scoped3A_294 = tpu.sem_alloc : memref<!tpu.dma_semaphore, #tpu.memory_space<semaphore_mem>>
      %dma_start3A_295 = arith.constant 0 : i32
      %dma_start3A_296 = tpu.memref_slice %arg10[%add3A_77, %dma_start3A_295] : memref<16384x128xf32, #tpu.memory_space<hbm>> -> memref<128x128xf32, #tpu.memory_space<hbm>>
      %dma_start3A_297 = arith.constant 0 : i32
      %dma_start3A_298 = tpu.memref_slice %arg10[%add3A_77, %dma_start3A_297] : memref<16384x128xf32, #tpu.memory_space<hbm>> -> memref<128x128xf32, #tpu.memory_space<hbm>>
      tpu.enqueue_dma source(%arg15 : memref<128x128xf32, #tpu.memory_space<vmem>>) target(%dma_start3A_298 : memref<128x128xf32, #tpu.memory_space<hbm>>) target_semaphore(%run_scoped3A_294 : memref<!tpu.dma_semaphore, #tpu.memory_space<semaphore_mem>>)
      %dma_wait3A_299 = arith.constant 0 : i32
      %dma_wait3A_300 = tpu.memref_slice %arg10[%add3A_77, %dma_wait3A_299] : memref<16384x128xf32, #tpu.memory_space<hbm>> -> memref<128x128xf32, #tpu.memory_space<hbm>>
      %dma_wait3A_301 = arith.constant 0 : i32
      %dma_wait3A_302 = tpu.memref_slice %arg10[%add3A_77, %dma_wait3A_301] : memref<16384x128xf32, #tpu.memory_space<hbm>> -> memref<128x128xf32, #tpu.memory_space<hbm>>
      tpu.wait_dma2 semaphore(%run_scoped3A_294 : memref<!tpu.dma_semaphore, #tpu.memory_space<semaphore_mem>>) src(%arg15 : memref<128x128xf32, #tpu.memory_space<vmem>>) dst(%dma_wait3A_302 : memref<128x128xf32, #tpu.memory_space<hbm>>)
      tpu.yield
    }) : () -> ()
    %dma_start3A_78 = arith.constant 0 : i32
    %dma_start3A_79 = arith.constant 128 : i32
    %dma_start3A_80 = tpu.memref_slice %arg11[%dma_start3A_78, %dma_start3A_79] : memref<4x512xi32, #tpu.memory_space<vmem>> -> memref<1x128xi32, #tpu.memory_space<vmem>>
    %dma_start3A_81 = tpu.memref_squeeze %dma_start3A_80 : memref<1x128xi32, #tpu.memory_space<vmem>> -> memref<128xi32, #tpu.memory_space<vmem>>
    %dma_start3A_82 = arith.constant 0 : i32
    %dma_start3A_83 = arith.constant 0 : i32
    %dma_start3A_84 = tpu.memref_slice %arg3[%dma_start3A_82, %dma_start3A_83] : memref<62500x128xf32, #tpu.memory_space<hbm>> -> memref<62500x128xf32, #tpu.memory_space<hbm>>
    tpu.enqueue_indirect_dma source(%dma_start3A_84 : memref<62500x128xf32, #tpu.memory_space<hbm>>) target(%arg12 : memref<128x128xf32, #tpu.memory_space<vmem>>) offsets(%dma_start3A_81 : memref<128xi32, #tpu.memory_space<vmem>>) semaphore(%arg16 : memref<!tpu.dma_semaphore, #tpu.memory_space<semaphore_mem>>)
    %dma_start3A_85 = arith.constant 1 : i32
    %dma_start3A_86 = arith.constant 128 : i32
    %dma_start3A_87 = tpu.memref_slice %arg11[%dma_start3A_85, %dma_start3A_86] : memref<4x512xi32, #tpu.memory_space<vmem>> -> memref<1x128xi32, #tpu.memory_space<vmem>>
    %dma_start3A_88 = tpu.memref_squeeze %dma_start3A_87 : memref<1x128xi32, #tpu.memory_space<vmem>> -> memref<128xi32, #tpu.memory_space<vmem>>
    %dma_start3A_89 = arith.constant 0 : i32
    %dma_start3A_90 = arith.constant 0 : i32
    %dma_start3A_91 = tpu.memref_slice %arg4[%dma_start3A_89, %dma_start3A_90] : memref<62500x128xf32, #tpu.memory_space<hbm>> -> memref<62500x128xf32, #tpu.memory_space<hbm>>
    tpu.enqueue_indirect_dma source(%dma_start3A_91 : memref<62500x128xf32, #tpu.memory_space<hbm>>) target(%arg13 : memref<128x128xf32, #tpu.memory_space<vmem>>) offsets(%dma_start3A_88 : memref<128xi32, #tpu.memory_space<vmem>>) semaphore(%arg16 : memref<!tpu.dma_semaphore, #tpu.memory_space<semaphore_mem>>)
    %dma_start3A_92 = arith.constant 2 : i32
    %dma_start3A_93 = arith.constant 128 : i32
    %dma_start3A_94 = tpu.memref_slice %arg11[%dma_start3A_92, %dma_start3A_93] : memref<4x512xi32, #tpu.memory_space<vmem>> -> memref<1x128xi32, #tpu.memory_space<vmem>>
    %dma_start3A_95 = tpu.memref_squeeze %dma_start3A_94 : memref<1x128xi32, #tpu.memory_space<vmem>> -> memref<128xi32, #tpu.memory_space<vmem>>
    %dma_start3A_96 = arith.constant 0 : i32
    %dma_start3A_97 = arith.constant 0 : i32
    %dma_start3A_98 = tpu.memref_slice %arg5[%dma_start3A_96, %dma_start3A_97] : memref<125000x128xf32, #tpu.memory_space<hbm>> -> memref<125000x128xf32, #tpu.memory_space<hbm>>
    tpu.enqueue_indirect_dma source(%dma_start3A_98 : memref<125000x128xf32, #tpu.memory_space<hbm>>) target(%arg14 : memref<128x128xf32, #tpu.memory_space<vmem>>) offsets(%dma_start3A_95 : memref<128xi32, #tpu.memory_space<vmem>>) semaphore(%arg16 : memref<!tpu.dma_semaphore, #tpu.memory_space<semaphore_mem>>)
    %dma_start3A_99 = arith.constant 3 : i32
    %dma_start3A_100 = arith.constant 128 : i32
    %dma_start3A_101 = tpu.memref_slice %arg11[%dma_start3A_99, %dma_start3A_100] : memref<4x512xi32, #tpu.memory_space<vmem>> -> memref<1x128xi32, #tpu.memory_space<vmem>>
    %dma_start3A_102 = tpu.memref_squeeze %dma_start3A_101 : memref<1x128xi32, #tpu.memory_space<vmem>> -> memref<128xi32, #tpu.memory_space<vmem>>
    %dma_start3A_103 = arith.constant 0 : i32
    %dma_start3A_104 = arith.constant 0 : i32
    %dma_start3A_105 = tpu.memref_slice %arg6[%dma_start3A_103, %dma_start3A_104] : memref<125000x128xf32, #tpu.memory_space<hbm>> -> memref<125000x128xf32, #tpu.memory_space<hbm>>
    tpu.enqueue_indirect_dma source(%dma_start3A_105 : memref<125000x128xf32, #tpu.memory_space<hbm>>) target(%arg15 : memref<128x128xf32, #tpu.memory_space<vmem>>) offsets(%dma_start3A_102 : memref<128xi32, #tpu.memory_space<vmem>>) semaphore(%arg16 : memref<!tpu.dma_semaphore, #tpu.memory_space<semaphore_mem>>)
    %dma_wait3A_106 = arith.constant 0 : i32
    %dma_wait3A_107 = arith.constant 128 : i32
    %dma_wait3A_108 = tpu.memref_slice %arg11[%dma_wait3A_106, %dma_wait3A_107] : memref<4x512xi32, #tpu.memory_space<vmem>> -> memref<1x128xi32, #tpu.memory_space<vmem>>
    %dma_wait3A_109 = tpu.memref_squeeze %dma_wait3A_108 : memref<1x128xi32, #tpu.memory_space<vmem>> -> memref<128xi32, #tpu.memory_space<vmem>>
    %dma_wait3A_110 = arith.constant 0 : i32
    %dma_wait3A_111 = arith.constant 0 : i32
    %dma_wait3A_112 = tpu.memref_slice %arg3[%dma_wait3A_110, %dma_wait3A_111] : memref<62500x128xf32, #tpu.memory_space<hbm>> -> memref<62500x128xf32, #tpu.memory_space<hbm>>
    tpu.wait_indirect_dma semaphore(%arg16 : memref<!tpu.dma_semaphore, #tpu.memory_space<semaphore_mem>>) src(%dma_wait3A_112 : memref<62500x128xf32, #tpu.memory_space<hbm>>) dst(%arg12 : memref<128x128xf32, #tpu.memory_space<vmem>>)
    %dma_wait3A_113 = arith.constant 1 : i32
    %dma_wait3A_114 = arith.constant 128 : i32
    %dma_wait3A_115 = tpu.memref_slice %arg11[%dma_wait3A_113, %dma_wait3A_114] : memref<4x512xi32, #tpu.memory_space<vmem>> -> memref<1x128xi32, #tpu.memory_space<vmem>>
    %dma_wait3A_116 = tpu.memref_squeeze %dma_wait3A_115 : memref<1x128xi32, #tpu.memory_space<vmem>> -> memref<128xi32, #tpu.memory_space<vmem>>
    %dma_wait3A_117 = arith.constant 0 : i32
    %dma_wait3A_118 = arith.constant 0 : i32
    %dma_wait3A_119 = tpu.memref_slice %arg4[%dma_wait3A_117, %dma_wait3A_118] : memref<62500x128xf32, #tpu.memory_space<hbm>> -> memref<62500x128xf32, #tpu.memory_space<hbm>>
    tpu.wait_indirect_dma semaphore(%arg16 : memref<!tpu.dma_semaphore, #tpu.memory_space<semaphore_mem>>) src(%dma_wait3A_119 : memref<62500x128xf32, #tpu.memory_space<hbm>>) dst(%arg13 : memref<128x128xf32, #tpu.memory_space<vmem>>)
    %dma_wait3A_120 = arith.constant 2 : i32
    %dma_wait3A_121 = arith.constant 128 : i32
    %dma_wait3A_122 = tpu.memref_slice %arg11[%dma_wait3A_120, %dma_wait3A_121] : memref<4x512xi32, #tpu.memory_space<vmem>> -> memref<1x128xi32, #tpu.memory_space<vmem>>
    %dma_wait3A_123 = tpu.memref_squeeze %dma_wait3A_122 : memref<1x128xi32, #tpu.memory_space<vmem>> -> memref<128xi32, #tpu.memory_space<vmem>>
    %dma_wait3A_124 = arith.constant 0 : i32
    %dma_wait3A_125 = arith.constant 0 : i32
    %dma_wait3A_126 = tpu.memref_slice %arg5[%dma_wait3A_124, %dma_wait3A_125] : memref<125000x128xf32, #tpu.memory_space<hbm>> -> memref<125000x128xf32, #tpu.memory_space<hbm>>
    tpu.wait_indirect_dma semaphore(%arg16 : memref<!tpu.dma_semaphore, #tpu.memory_space<semaphore_mem>>) src(%dma_wait3A_126 : memref<125000x128xf32, #tpu.memory_space<hbm>>) dst(%arg14 : memref<128x128xf32, #tpu.memory_space<vmem>>)
    %dma_wait3A_127 = arith.constant 3 : i32
    %dma_wait3A_128 = arith.constant 128 : i32
    %dma_wait3A_129 = tpu.memref_slice %arg11[%dma_wait3A_127, %dma_wait3A_128] : memref<4x512xi32, #tpu.memory_space<vmem>> -> memref<1x128xi32, #tpu.memory_space<vmem>>
    %dma_wait3A_130 = tpu.memref_squeeze %dma_wait3A_129 : memref<1x128xi32, #tpu.memory_space<vmem>> -> memref<128xi32, #tpu.memory_space<vmem>>
    %dma_wait3A_131 = arith.constant 0 : i32
    %dma_wait3A_132 = arith.constant 0 : i32
    %dma_wait3A_133 = tpu.memref_slice %arg6[%dma_wait3A_131, %dma_wait3A_132] : memref<125000x128xf32, #tpu.memory_space<hbm>> -> memref<125000x128xf32, #tpu.memory_space<hbm>>
    tpu.wait_indirect_dma semaphore(%arg16 : memref<!tpu.dma_semaphore, #tpu.memory_space<semaphore_mem>>) src(%dma_wait3A_133 : memref<125000x128xf32, #tpu.memory_space<hbm>>) dst(%arg15 : memref<128x128xf32, #tpu.memory_space<vmem>>)
    %mul3A_134 = arith.constant 512 : i32
    %mul3A_135 = arith.muli %add3A, %mul3A_134 : i32
    %add3A_136 = arith.constant 128 : i32
    %add3A_137 = arith.addi %mul3A_135, %add3A_136 : i32
    "tpu.region"() ({
      %run_scoped3A_294 = tpu.sem_alloc : memref<!tpu.dma_semaphore, #tpu.memory_space<semaphore_mem>>
      %dma_start3A_295 = arith.constant 0 : i32
      %dma_start3A_296 = tpu.memref_slice %arg7[%add3A_137, %dma_start3A_295] : memref<16384x128xf32, #tpu.memory_space<hbm>> -> memref<128x128xf32, #tpu.memory_space<hbm>>
      %dma_start3A_297 = arith.constant 0 : i32
      %dma_start3A_298 = tpu.memref_slice %arg7[%add3A_137, %dma_start3A_297] : memref<16384x128xf32, #tpu.memory_space<hbm>> -> memref<128x128xf32, #tpu.memory_space<hbm>>
      tpu.enqueue_dma source(%arg12 : memref<128x128xf32, #tpu.memory_space<vmem>>) target(%dma_start3A_298 : memref<128x128xf32, #tpu.memory_space<hbm>>) target_semaphore(%run_scoped3A_294 : memref<!tpu.dma_semaphore, #tpu.memory_space<semaphore_mem>>)
      %dma_wait3A_299 = arith.constant 0 : i32
      %dma_wait3A_300 = tpu.memref_slice %arg7[%add3A_137, %dma_wait3A_299] : memref<16384x128xf32, #tpu.memory_space<hbm>> -> memref<128x128xf32, #tpu.memory_space<hbm>>
      %dma_wait3A_301 = arith.constant 0 : i32
      %dma_wait3A_302 = tpu.memref_slice %arg7[%add3A_137, %dma_wait3A_301] : memref<16384x128xf32, #tpu.memory_space<hbm>> -> memref<128x128xf32, #tpu.memory_space<hbm>>
      tpu.wait_dma2 semaphore(%run_scoped3A_294 : memref<!tpu.dma_semaphore, #tpu.memory_space<semaphore_mem>>) src(%arg12 : memref<128x128xf32, #tpu.memory_space<vmem>>) dst(%dma_wait3A_302 : memref<128x128xf32, #tpu.memory_space<hbm>>)
      tpu.yield
    }) : () -> ()
    %mul3A_138 = arith.constant 512 : i32
    %mul3A_139 = arith.muli %add3A, %mul3A_138 : i32
    %add3A_140 = arith.constant 128 : i32
    %add3A_141 = arith.addi %mul3A_139, %add3A_140 : i32
    "tpu.region"() ({
      %run_scoped3A_294 = tpu.sem_alloc : memref<!tpu.dma_semaphore, #tpu.memory_space<semaphore_mem>>
      %dma_start3A_295 = arith.constant 0 : i32
      %dma_start3A_296 = tpu.memref_slice %arg8[%add3A_141, %dma_start3A_295] : memref<16384x128xf32, #tpu.memory_space<hbm>> -> memref<128x128xf32, #tpu.memory_space<hbm>>
      %dma_start3A_297 = arith.constant 0 : i32
      %dma_start3A_298 = tpu.memref_slice %arg8[%add3A_141, %dma_start3A_297] : memref<16384x128xf32, #tpu.memory_space<hbm>> -> memref<128x128xf32, #tpu.memory_space<hbm>>
      tpu.enqueue_dma source(%arg13 : memref<128x128xf32, #tpu.memory_space<vmem>>) target(%dma_start3A_298 : memref<128x128xf32, #tpu.memory_space<hbm>>) target_semaphore(%run_scoped3A_294 : memref<!tpu.dma_semaphore, #tpu.memory_space<semaphore_mem>>)
      %dma_wait3A_299 = arith.constant 0 : i32
      %dma_wait3A_300 = tpu.memref_slice %arg8[%add3A_141, %dma_wait3A_299] : memref<16384x128xf32, #tpu.memory_space<hbm>> -> memref<128x128xf32, #tpu.memory_space<hbm>>
      %dma_wait3A_301 = arith.constant 0 : i32
      %dma_wait3A_302 = tpu.memref_slice %arg8[%add3A_141, %dma_wait3A_301] : memref<16384x128xf32, #tpu.memory_space<hbm>> -> memref<128x128xf32, #tpu.memory_space<hbm>>
      tpu.wait_dma2 semaphore(%run_scoped3A_294 : memref<!tpu.dma_semaphore, #tpu.memory_space<semaphore_mem>>) src(%arg13 : memref<128x128xf32, #tpu.memory_space<vmem>>) dst(%dma_wait3A_302 : memref<128x128xf32, #tpu.memory_space<hbm>>)
      tpu.yield
    }) : () -> ()
    %mul3A_142 = arith.constant 512 : i32
    %mul3A_143 = arith.muli %add3A, %mul3A_142 : i32
    %add3A_144 = arith.constant 128 : i32
    %add3A_145 = arith.addi %mul3A_143, %add3A_144 : i32
    "tpu.region"() ({
      %run_scoped3A_294 = tpu.sem_alloc : memref<!tpu.dma_semaphore, #tpu.memory_space<semaphore_mem>>
      %dma_start3A_295 = arith.constant 0 : i32
      %dma_start3A_296 = tpu.memref_slice %arg9[%add3A_145, %dma_start3A_295] : memref<16384x128xf32, #tpu.memory_space<hbm>> -> memref<128x128xf32, #tpu.memory_space<hbm>>
      %dma_start3A_297 = arith.constant 0 : i32
      %dma_start3A_298 = tpu.memref_slice %arg9[%add3A_145, %dma_start3A_297] : memref<16384x128xf32, #tpu.memory_space<hbm>> -> memref<128x128xf32, #tpu.memory_space<hbm>>
      tpu.enqueue_dma source(%arg14 : memref<128x128xf32, #tpu.memory_space<vmem>>) target(%dma_start3A_298 : memref<128x128xf32, #tpu.memory_space<hbm>>) target_semaphore(%run_scoped3A_294 : memref<!tpu.dma_semaphore, #tpu.memory_space<semaphore_mem>>)
      %dma_wait3A_299 = arith.constant 0 : i32
      %dma_wait3A_300 = tpu.memref_slice %arg9[%add3A_145, %dma_wait3A_299] : memref<16384x128xf32, #tpu.memory_space<hbm>> -> memref<128x128xf32, #tpu.memory_space<hbm>>
      %dma_wait3A_301 = arith.constant 0 : i32
      %dma_wait3A_302 = tpu.memref_slice %arg9[%add3A_145, %dma_wait3A_301] : memref<16384x128xf32, #tpu.memory_space<hbm>> -> memref<128x128xf32, #tpu.memory_space<hbm>>
      tpu.wait_dma2 semaphore(%run_scoped3A_294 : memref<!tpu.dma_semaphore, #tpu.memory_space<semaphore_mem>>) src(%arg14 : memref<128x128xf32, #tpu.memory_space<vmem>>) dst(%dma_wait3A_302 : memref<128x128xf32, #tpu.memory_space<hbm>>)
      tpu.yield
    }) : () -> ()
    %mul3A_146 = arith.constant 512 : i32
    %mul3A_147 = arith.muli %add3A, %mul3A_146 : i32
    %add3A_148 = arith.constant 128 : i32
    %add3A_149 = arith.addi %mul3A_147, %add3A_148 : i32
    "tpu.region"() ({
      %run_scoped3A_294 = tpu.sem_alloc : memref<!tpu.dma_semaphore, #tpu.memory_space<semaphore_mem>>
      %dma_start3A_295 = arith.constant 0 : i32
      %dma_start3A_296 = tpu.memref_slice %arg10[%add3A_149, %dma_start3A_295] : memref<16384x128xf32, #tpu.memory_space<hbm>> -> memref<128x128xf32, #tpu.memory_space<hbm>>
      %dma_start3A_297 = arith.constant 0 : i32
      %dma_start3A_298 = tpu.memref_slice %arg10[%add3A_149, %dma_start3A_297] : memref<16384x128xf32, #tpu.memory_space<hbm>> -> memref<128x128xf32, #tpu.memory_space<hbm>>
      tpu.enqueue_dma source(%arg15 : memref<128x128xf32, #tpu.memory_space<vmem>>) target(%dma_start3A_298 : memref<128x128xf32, #tpu.memory_space<hbm>>) target_semaphore(%run_scoped3A_294 : memref<!tpu.dma_semaphore, #tpu.memory_space<semaphore_mem>>)
      %dma_wait3A_299 = arith.constant 0 : i32
      %dma_wait3A_300 = tpu.memref_slice %arg10[%add3A_149, %dma_wait3A_299] : memref<16384x128xf32, #tpu.memory_space<hbm>> -> memref<128x128xf32, #tpu.memory_space<hbm>>
      %dma_wait3A_301 = arith.constant 0 : i32
      %dma_wait3A_302 = tpu.memref_slice %arg10[%add3A_149, %dma_wait3A_301] : memref<16384x128xf32, #tpu.memory_space<hbm>> -> memref<128x128xf32, #tpu.memory_space<hbm>>
      tpu.wait_dma2 semaphore(%run_scoped3A_294 : memref<!tpu.dma_semaphore, #tpu.memory_space<semaphore_mem>>) src(%arg15 : memref<128x128xf32, #tpu.memory_space<vmem>>) dst(%dma_wait3A_302 : memref<128x128xf32, #tpu.memory_space<hbm>>)
      tpu.yield
    }) : () -> ()
    %dma_start3A_150 = arith.constant 0 : i32
    %dma_start3A_151 = arith.constant 256 : i32
    %dma_start3A_152 = tpu.memref_slice %arg11[%dma_start3A_150, %dma_start3A_151] : memref<4x512xi32, #tpu.memory_space<vmem>> -> memref<1x128xi32, #tpu.memory_space<vmem>>
    %dma_start3A_153 = tpu.memref_squeeze %dma_start3A_152 : memref<1x128xi32, #tpu.memory_space<vmem>> -> memref<128xi32, #tpu.memory_space<vmem>>
    %dma_start3A_154 = arith.constant 0 : i32
    %dma_start3A_155 = arith.constant 0 : i32
    %dma_start3A_156 = tpu.memref_slice %arg3[%dma_start3A_154, %dma_start3A_155] : memref<62500x128xf32, #tpu.memory_space<hbm>> -> memref<62500x128xf32, #tpu.memory_space<hbm>>
    tpu.enqueue_indirect_dma source(%dma_start3A_156 : memref<62500x128xf32, #tpu.memory_space<hbm>>) target(%arg12 : memref<128x128xf32, #tpu.memory_space<vmem>>) offsets(%dma_start3A_153 : memref<128xi32, #tpu.memory_space<vmem>>) semaphore(%arg16 : memref<!tpu.dma_semaphore, #tpu.memory_space<semaphore_mem>>)
    %dma_start3A_157 = arith.constant 1 : i32
    %dma_start3A_158 = arith.constant 256 : i32
    %dma_start3A_159 = tpu.memref_slice %arg11[%dma_start3A_157, %dma_start3A_158] : memref<4x512xi32, #tpu.memory_space<vmem>> -> memref<1x128xi32, #tpu.memory_space<vmem>>
    %dma_start3A_160 = tpu.memref_squeeze %dma_start3A_159 : memref<1x128xi32, #tpu.memory_space<vmem>> -> memref<128xi32, #tpu.memory_space<vmem>>
    %dma_start3A_161 = arith.constant 0 : i32
    %dma_start3A_162 = arith.constant 0 : i32
    %dma_start3A_163 = tpu.memref_slice %arg4[%dma_start3A_161, %dma_start3A_162] : memref<62500x128xf32, #tpu.memory_space<hbm>> -> memref<62500x128xf32, #tpu.memory_space<hbm>>
    tpu.enqueue_indirect_dma source(%dma_start3A_163 : memref<62500x128xf32, #tpu.memory_space<hbm>>) target(%arg13 : memref<128x128xf32, #tpu.memory_space<vmem>>) offsets(%dma_start3A_160 : memref<128xi32, #tpu.memory_space<vmem>>) semaphore(%arg16 : memref<!tpu.dma_semaphore, #tpu.memory_space<semaphore_mem>>)
    %dma_start3A_164 = arith.constant 2 : i32
    %dma_start3A_165 = arith.constant 256 : i32
    %dma_start3A_166 = tpu.memref_slice %arg11[%dma_start3A_164, %dma_start3A_165] : memref<4x512xi32, #tpu.memory_space<vmem>> -> memref<1x128xi32, #tpu.memory_space<vmem>>
    %dma_start3A_167 = tpu.memref_squeeze %dma_start3A_166 : memref<1x128xi32, #tpu.memory_space<vmem>> -> memref<128xi32, #tpu.memory_space<vmem>>
    %dma_start3A_168 = arith.constant 0 : i32
    %dma_start3A_169 = arith.constant 0 : i32
    %dma_start3A_170 = tpu.memref_slice %arg5[%dma_start3A_168, %dma_start3A_169] : memref<125000x128xf32, #tpu.memory_space<hbm>> -> memref<125000x128xf32, #tpu.memory_space<hbm>>
    tpu.enqueue_indirect_dma source(%dma_start3A_170 : memref<125000x128xf32, #tpu.memory_space<hbm>>) target(%arg14 : memref<128x128xf32, #tpu.memory_space<vmem>>) offsets(%dma_start3A_167 : memref<128xi32, #tpu.memory_space<vmem>>) semaphore(%arg16 : memref<!tpu.dma_semaphore, #tpu.memory_space<semaphore_mem>>)
    %dma_start3A_171 = arith.constant 3 : i32
    %dma_start3A_172 = arith.constant 256 : i32
    %dma_start3A_173 = tpu.memref_slice %arg11[%dma_start3A_171, %dma_start3A_172] : memref<4x512xi32, #tpu.memory_space<vmem>> -> memref<1x128xi32, #tpu.memory_space<vmem>>
    %dma_start3A_174 = tpu.memref_squeeze %dma_start3A_173 : memref<1x128xi32, #tpu.memory_space<vmem>> -> memref<128xi32, #tpu.memory_space<vmem>>
    %dma_start3A_175 = arith.constant 0 : i32
    %dma_start3A_176 = arith.constant 0 : i32
    %dma_start3A_177 = tpu.memref_slice %arg6[%dma_start3A_175, %dma_start3A_176] : memref<125000x128xf32, #tpu.memory_space<hbm>> -> memref<125000x128xf32, #tpu.memory_space<hbm>>
    tpu.enqueue_indirect_dma source(%dma_start3A_177 : memref<125000x128xf32, #tpu.memory_space<hbm>>) target(%arg15 : memref<128x128xf32, #tpu.memory_space<vmem>>) offsets(%dma_start3A_174 : memref<128xi32, #tpu.memory_space<vmem>>) semaphore(%arg16 : memref<!tpu.dma_semaphore, #tpu.memory_space<semaphore_mem>>)
    %dma_wait3A_178 = arith.constant 0 : i32
    %dma_wait3A_179 = arith.constant 256 : i32
    %dma_wait3A_180 = tpu.memref_slice %arg11[%dma_wait3A_178, %dma_wait3A_179] : memref<4x512xi32, #tpu.memory_space<vmem>> -> memref<1x128xi32, #tpu.memory_space<vmem>>
    %dma_wait3A_181 = tpu.memref_squeeze %dma_wait3A_180 : memref<1x128xi32, #tpu.memory_space<vmem>> -> memref<128xi32, #tpu.memory_space<vmem>>
    %dma_wait3A_182 = arith.constant 0 : i32
    %dma_wait3A_183 = arith.constant 0 : i32
    %dma_wait3A_184 = tpu.memref_slice %arg3[%dma_wait3A_182, %dma_wait3A_183] : memref<62500x128xf32, #tpu.memory_space<hbm>> -> memref<62500x128xf32, #tpu.memory_space<hbm>>
    tpu.wait_indirect_dma semaphore(%arg16 : memref<!tpu.dma_semaphore, #tpu.memory_space<semaphore_mem>>) src(%dma_wait3A_184 : memref<62500x128xf32, #tpu.memory_space<hbm>>) dst(%arg12 : memref<128x128xf32, #tpu.memory_space<vmem>>)
    %dma_wait3A_185 = arith.constant 1 : i32
    %dma_wait3A_186 = arith.constant 256 : i32
    %dma_wait3A_187 = tpu.memref_slice %arg11[%dma_wait3A_185, %dma_wait3A_186] : memref<4x512xi32, #tpu.memory_space<vmem>> -> memref<1x128xi32, #tpu.memory_space<vmem>>
    %dma_wait3A_188 = tpu.memref_squeeze %dma_wait3A_187 : memref<1x128xi32, #tpu.memory_space<vmem>> -> memref<128xi32, #tpu.memory_space<vmem>>
    %dma_wait3A_189 = arith.constant 0 : i32
    %dma_wait3A_190 = arith.constant 0 : i32
    %dma_wait3A_191 = tpu.memref_slice %arg4[%dma_wait3A_189, %dma_wait3A_190] : memref<62500x128xf32, #tpu.memory_space<hbm>> -> memref<62500x128xf32, #tpu.memory_space<hbm>>
    tpu.wait_indirect_dma semaphore(%arg16 : memref<!tpu.dma_semaphore, #tpu.memory_space<semaphore_mem>>) src(%dma_wait3A_191 : memref<62500x128xf32, #tpu.memory_space<hbm>>) dst(%arg13 : memref<128x128xf32, #tpu.memory_space<vmem>>)
    %dma_wait3A_192 = arith.constant 2 : i32
    %dma_wait3A_193 = arith.constant 256 : i32
    %dma_wait3A_194 = tpu.memref_slice %arg11[%dma_wait3A_192, %dma_wait3A_193] : memref<4x512xi32, #tpu.memory_space<vmem>> -> memref<1x128xi32, #tpu.memory_space<vmem>>
    %dma_wait3A_195 = tpu.memref_squeeze %dma_wait3A_194 : memref<1x128xi32, #tpu.memory_space<vmem>> -> memref<128xi32, #tpu.memory_space<vmem>>
    %dma_wait3A_196 = arith.constant 0 : i32
    %dma_wait3A_197 = arith.constant 0 : i32
    %dma_wait3A_198 = tpu.memref_slice %arg5[%dma_wait3A_196, %dma_wait3A_197] : memref<125000x128xf32, #tpu.memory_space<hbm>> -> memref<125000x128xf32, #tpu.memory_space<hbm>>
    tpu.wait_indirect_dma semaphore(%arg16 : memref<!tpu.dma_semaphore, #tpu.memory_space<semaphore_mem>>) src(%dma_wait3A_198 : memref<125000x128xf32, #tpu.memory_space<hbm>>) dst(%arg14 : memref<128x128xf32, #tpu.memory_space<vmem>>)
    %dma_wait3A_199 = arith.constant 3 : i32
    %dma_wait3A_200 = arith.constant 256 : i32
    %dma_wait3A_201 = tpu.memref_slice %arg11[%dma_wait3A_199, %dma_wait3A_200] : memref<4x512xi32, #tpu.memory_space<vmem>> -> memref<1x128xi32, #tpu.memory_space<vmem>>
    %dma_wait3A_202 = tpu.memref_squeeze %dma_wait3A_201 : memref<1x128xi32, #tpu.memory_space<vmem>> -> memref<128xi32, #tpu.memory_space<vmem>>
    %dma_wait3A_203 = arith.constant 0 : i32
    %dma_wait3A_204 = arith.constant 0 : i32
    %dma_wait3A_205 = tpu.memref_slice %arg6[%dma_wait3A_203, %dma_wait3A_204] : memref<125000x128xf32, #tpu.memory_space<hbm>> -> memref<125000x128xf32, #tpu.memory_space<hbm>>
    tpu.wait_indirect_dma semaphore(%arg16 : memref<!tpu.dma_semaphore, #tpu.memory_space<semaphore_mem>>) src(%dma_wait3A_205 : memref<125000x128xf32, #tpu.memory_space<hbm>>) dst(%arg15 : memref<128x128xf32, #tpu.memory_space<vmem>>)
    %mul3A_206 = arith.constant 512 : i32
    %mul3A_207 = arith.muli %add3A, %mul3A_206 : i32
    %add3A_208 = arith.constant 256 : i32
    %add3A_209 = arith.addi %mul3A_207, %add3A_208 : i32
    "tpu.region"() ({
      %run_scoped3A_294 = tpu.sem_alloc : memref<!tpu.dma_semaphore, #tpu.memory_space<semaphore_mem>>
      %dma_start3A_295 = arith.constant 0 : i32
      %dma_start3A_296 = tpu.memref_slice %arg7[%add3A_209, %dma_start3A_295] : memref<16384x128xf32, #tpu.memory_space<hbm>> -> memref<128x128xf32, #tpu.memory_space<hbm>>
      %dma_start3A_297 = arith.constant 0 : i32
      %dma_start3A_298 = tpu.memref_slice %arg7[%add3A_209, %dma_start3A_297] : memref<16384x128xf32, #tpu.memory_space<hbm>> -> memref<128x128xf32, #tpu.memory_space<hbm>>
      tpu.enqueue_dma source(%arg12 : memref<128x128xf32, #tpu.memory_space<vmem>>) target(%dma_start3A_298 : memref<128x128xf32, #tpu.memory_space<hbm>>) target_semaphore(%run_scoped3A_294 : memref<!tpu.dma_semaphore, #tpu.memory_space<semaphore_mem>>)
      %dma_wait3A_299 = arith.constant 0 : i32
      %dma_wait3A_300 = tpu.memref_slice %arg7[%add3A_209, %dma_wait3A_299] : memref<16384x128xf32, #tpu.memory_space<hbm>> -> memref<128x128xf32, #tpu.memory_space<hbm>>
      %dma_wait3A_301 = arith.constant 0 : i32
      %dma_wait3A_302 = tpu.memref_slice %arg7[%add3A_209, %dma_wait3A_301] : memref<16384x128xf32, #tpu.memory_space<hbm>> -> memref<128x128xf32, #tpu.memory_space<hbm>>
      tpu.wait_dma2 semaphore(%run_scoped3A_294 : memref<!tpu.dma_semaphore, #tpu.memory_space<semaphore_mem>>) src(%arg12 : memref<128x128xf32, #tpu.memory_space<vmem>>) dst(%dma_wait3A_302 : memref<128x128xf32, #tpu.memory_space<hbm>>)
      tpu.yield
    }) : () -> ()
    %mul3A_210 = arith.constant 512 : i32
    %mul3A_211 = arith.muli %add3A, %mul3A_210 : i32
    %add3A_212 = arith.constant 256 : i32
    %add3A_213 = arith.addi %mul3A_211, %add3A_212 : i32
    "tpu.region"() ({
      %run_scoped3A_294 = tpu.sem_alloc : memref<!tpu.dma_semaphore, #tpu.memory_space<semaphore_mem>>
      %dma_start3A_295 = arith.constant 0 : i32
      %dma_start3A_296 = tpu.memref_slice %arg8[%add3A_213, %dma_start3A_295] : memref<16384x128xf32, #tpu.memory_space<hbm>> -> memref<128x128xf32, #tpu.memory_space<hbm>>
      %dma_start3A_297 = arith.constant 0 : i32
      %dma_start3A_298 = tpu.memref_slice %arg8[%add3A_213, %dma_start3A_297] : memref<16384x128xf32, #tpu.memory_space<hbm>> -> memref<128x128xf32, #tpu.memory_space<hbm>>
      tpu.enqueue_dma source(%arg13 : memref<128x128xf32, #tpu.memory_space<vmem>>) target(%dma_start3A_298 : memref<128x128xf32, #tpu.memory_space<hbm>>) target_semaphore(%run_scoped3A_294 : memref<!tpu.dma_semaphore, #tpu.memory_space<semaphore_mem>>)
      %dma_wait3A_299 = arith.constant 0 : i32
      %dma_wait3A_300 = tpu.memref_slice %arg8[%add3A_213, %dma_wait3A_299] : memref<16384x128xf32, #tpu.memory_space<hbm>> -> memref<128x128xf32, #tpu.memory_space<hbm>>
      %dma_wait3A_301 = arith.constant 0 : i32
      %dma_wait3A_302 = tpu.memref_slice %arg8[%add3A_213, %dma_wait3A_301] : memref<16384x128xf32, #tpu.memory_space<hbm>> -> memref<128x128xf32, #tpu.memory_space<hbm>>
      tpu.wait_dma2 semaphore(%run_scoped3A_294 : memref<!tpu.dma_semaphore, #tpu.memory_space<semaphore_mem>>) src(%arg13 : memref<128x128xf32, #tpu.memory_space<vmem>>) dst(%dma_wait3A_302 : memref<128x128xf32, #tpu.memory_space<hbm>>)
      tpu.yield
    }) : () -> ()
    %mul3A_214 = arith.constant 512 : i32
    %mul3A_215 = arith.muli %add3A, %mul3A_214 : i32
    %add3A_216 = arith.constant 256 : i32
    %add3A_217 = arith.addi %mul3A_215, %add3A_216 : i32
    "tpu.region"() ({
      %run_scoped3A_294 = tpu.sem_alloc : memref<!tpu.dma_semaphore, #tpu.memory_space<semaphore_mem>>
      %dma_start3A_295 = arith.constant 0 : i32
      %dma_start3A_296 = tpu.memref_slice %arg9[%add3A_217, %dma_start3A_295] : memref<16384x128xf32, #tpu.memory_space<hbm>> -> memref<128x128xf32, #tpu.memory_space<hbm>>
      %dma_start3A_297 = arith.constant 0 : i32
      %dma_start3A_298 = tpu.memref_slice %arg9[%add3A_217, %dma_start3A_297] : memref<16384x128xf32, #tpu.memory_space<hbm>> -> memref<128x128xf32, #tpu.memory_space<hbm>>
      tpu.enqueue_dma source(%arg14 : memref<128x128xf32, #tpu.memory_space<vmem>>) target(%dma_start3A_298 : memref<128x128xf32, #tpu.memory_space<hbm>>) target_semaphore(%run_scoped3A_294 : memref<!tpu.dma_semaphore, #tpu.memory_space<semaphore_mem>>)
      %dma_wait3A_299 = arith.constant 0 : i32
      %dma_wait3A_300 = tpu.memref_slice %arg9[%add3A_217, %dma_wait3A_299] : memref<16384x128xf32, #tpu.memory_space<hbm>> -> memref<128x128xf32, #tpu.memory_space<hbm>>
      %dma_wait3A_301 = arith.constant 0 : i32
      %dma_wait3A_302 = tpu.memref_slice %arg9[%add3A_217, %dma_wait3A_301] : memref<16384x128xf32, #tpu.memory_space<hbm>> -> memref<128x128xf32, #tpu.memory_space<hbm>>
      tpu.wait_dma2 semaphore(%run_scoped3A_294 : memref<!tpu.dma_semaphore, #tpu.memory_space<semaphore_mem>>) src(%arg14 : memref<128x128xf32, #tpu.memory_space<vmem>>) dst(%dma_wait3A_302 : memref<128x128xf32, #tpu.memory_space<hbm>>)
      tpu.yield
    }) : () -> ()
    %mul3A_218 = arith.constant 512 : i32
    %mul3A_219 = arith.muli %add3A, %mul3A_218 : i32
    %add3A_220 = arith.constant 256 : i32
    %add3A_221 = arith.addi %mul3A_219, %add3A_220 : i32
    "tpu.region"() ({
      %run_scoped3A_294 = tpu.sem_alloc : memref<!tpu.dma_semaphore, #tpu.memory_space<semaphore_mem>>
      %dma_start3A_295 = arith.constant 0 : i32
      %dma_start3A_296 = tpu.memref_slice %arg10[%add3A_221, %dma_start3A_295] : memref<16384x128xf32, #tpu.memory_space<hbm>> -> memref<128x128xf32, #tpu.memory_space<hbm>>
      %dma_start3A_297 = arith.constant 0 : i32
      %dma_start3A_298 = tpu.memref_slice %arg10[%add3A_221, %dma_start3A_297] : memref<16384x128xf32, #tpu.memory_space<hbm>> -> memref<128x128xf32, #tpu.memory_space<hbm>>
      tpu.enqueue_dma source(%arg15 : memref<128x128xf32, #tpu.memory_space<vmem>>) target(%dma_start3A_298 : memref<128x128xf32, #tpu.memory_space<hbm>>) target_semaphore(%run_scoped3A_294 : memref<!tpu.dma_semaphore, #tpu.memory_space<semaphore_mem>>)
      %dma_wait3A_299 = arith.constant 0 : i32
      %dma_wait3A_300 = tpu.memref_slice %arg10[%add3A_221, %dma_wait3A_299] : memref<16384x128xf32, #tpu.memory_space<hbm>> -> memref<128x128xf32, #tpu.memory_space<hbm>>
      %dma_wait3A_301 = arith.constant 0 : i32
      %dma_wait3A_302 = tpu.memref_slice %arg10[%add3A_221, %dma_wait3A_301] : memref<16384x128xf32, #tpu.memory_space<hbm>> -> memref<128x128xf32, #tpu.memory_space<hbm>>
      tpu.wait_dma2 semaphore(%run_scoped3A_294 : memref<!tpu.dma_semaphore, #tpu.memory_space<semaphore_mem>>) src(%arg15 : memref<128x128xf32, #tpu.memory_space<vmem>>) dst(%dma_wait3A_302 : memref<128x128xf32, #tpu.memory_space<hbm>>)
      tpu.yield
    }) : () -> ()
    %dma_start3A_222 = arith.constant 0 : i32
    %dma_start3A_223 = arith.constant 384 : i32
    %dma_start3A_224 = tpu.memref_slice %arg11[%dma_start3A_222, %dma_start3A_223] : memref<4x512xi32, #tpu.memory_space<vmem>> -> memref<1x128xi32, #tpu.memory_space<vmem>>
    %dma_start3A_225 = tpu.memref_squeeze %dma_start3A_224 : memref<1x128xi32, #tpu.memory_space<vmem>> -> memref<128xi32, #tpu.memory_space<vmem>>
    %dma_start3A_226 = arith.constant 0 : i32
    %dma_start3A_227 = arith.constant 0 : i32
    %dma_start3A_228 = tpu.memref_slice %arg3[%dma_start3A_226, %dma_start3A_227] : memref<62500x128xf32, #tpu.memory_space<hbm>> -> memref<62500x128xf32, #tpu.memory_space<hbm>>
    tpu.enqueue_indirect_dma source(%dma_start3A_228 : memref<62500x128xf32, #tpu.memory_space<hbm>>) target(%arg12 : memref<128x128xf32, #tpu.memory_space<vmem>>) offsets(%dma_start3A_225 : memref<128xi32, #tpu.memory_space<vmem>>) semaphore(%arg16 : memref<!tpu.dma_semaphore, #tpu.memory_space<semaphore_mem>>)
    %dma_start3A_229 = arith.constant 1 : i32
    %dma_start3A_230 = arith.constant 384 : i32
    %dma_start3A_231 = tpu.memref_slice %arg11[%dma_start3A_229, %dma_start3A_230] : memref<4x512xi32, #tpu.memory_space<vmem>> -> memref<1x128xi32, #tpu.memory_space<vmem>>
    %dma_start3A_232 = tpu.memref_squeeze %dma_start3A_231 : memref<1x128xi32, #tpu.memory_space<vmem>> -> memref<128xi32, #tpu.memory_space<vmem>>
    %dma_start3A_233 = arith.constant 0 : i32
    %dma_start3A_234 = arith.constant 0 : i32
    %dma_start3A_235 = tpu.memref_slice %arg4[%dma_start3A_233, %dma_start3A_234] : memref<62500x128xf32, #tpu.memory_space<hbm>> -> memref<62500x128xf32, #tpu.memory_space<hbm>>
    tpu.enqueue_indirect_dma source(%dma_start3A_235 : memref<62500x128xf32, #tpu.memory_space<hbm>>) target(%arg13 : memref<128x128xf32, #tpu.memory_space<vmem>>) offsets(%dma_start3A_232 : memref<128xi32, #tpu.memory_space<vmem>>) semaphore(%arg16 : memref<!tpu.dma_semaphore, #tpu.memory_space<semaphore_mem>>)
    %dma_start3A_236 = arith.constant 2 : i32
    %dma_start3A_237 = arith.constant 384 : i32
    %dma_start3A_238 = tpu.memref_slice %arg11[%dma_start3A_236, %dma_start3A_237] : memref<4x512xi32, #tpu.memory_space<vmem>> -> memref<1x128xi32, #tpu.memory_space<vmem>>
    %dma_start3A_239 = tpu.memref_squeeze %dma_start3A_238 : memref<1x128xi32, #tpu.memory_space<vmem>> -> memref<128xi32, #tpu.memory_space<vmem>>
    %dma_start3A_240 = arith.constant 0 : i32
    %dma_start3A_241 = arith.constant 0 : i32
    %dma_start3A_242 = tpu.memref_slice %arg5[%dma_start3A_240, %dma_start3A_241] : memref<125000x128xf32, #tpu.memory_space<hbm>> -> memref<125000x128xf32, #tpu.memory_space<hbm>>
    tpu.enqueue_indirect_dma source(%dma_start3A_242 : memref<125000x128xf32, #tpu.memory_space<hbm>>) target(%arg14 : memref<128x128xf32, #tpu.memory_space<vmem>>) offsets(%dma_start3A_239 : memref<128xi32, #tpu.memory_space<vmem>>) semaphore(%arg16 : memref<!tpu.dma_semaphore, #tpu.memory_space<semaphore_mem>>)
    %dma_start3A_243 = arith.constant 3 : i32
    %dma_start3A_244 = arith.constant 384 : i32
    %dma_start3A_245 = tpu.memref_slice %arg11[%dma_start3A_243, %dma_start3A_244] : memref<4x512xi32, #tpu.memory_space<vmem>> -> memref<1x128xi32, #tpu.memory_space<vmem>>
    %dma_start3A_246 = tpu.memref_squeeze %dma_start3A_245 : memref<1x128xi32, #tpu.memory_space<vmem>> -> memref<128xi32, #tpu.memory_space<vmem>>
    %dma_start3A_247 = arith.constant 0 : i32
    %dma_start3A_248 = arith.constant 0 : i32
    %dma_start3A_249 = tpu.memref_slice %arg6[%dma_start3A_247, %dma_start3A_248] : memref<125000x128xf32, #tpu.memory_space<hbm>> -> memref<125000x128xf32, #tpu.memory_space<hbm>>
    tpu.enqueue_indirect_dma source(%dma_start3A_249 : memref<125000x128xf32, #tpu.memory_space<hbm>>) target(%arg15 : memref<128x128xf32, #tpu.memory_space<vmem>>) offsets(%dma_start3A_246 : memref<128xi32, #tpu.memory_space<vmem>>) semaphore(%arg16 : memref<!tpu.dma_semaphore, #tpu.memory_space<semaphore_mem>>)
    %dma_wait3A_250 = arith.constant 0 : i32
    %dma_wait3A_251 = arith.constant 384 : i32
    %dma_wait3A_252 = tpu.memref_slice %arg11[%dma_wait3A_250, %dma_wait3A_251] : memref<4x512xi32, #tpu.memory_space<vmem>> -> memref<1x128xi32, #tpu.memory_space<vmem>>
    %dma_wait3A_253 = tpu.memref_squeeze %dma_wait3A_252 : memref<1x128xi32, #tpu.memory_space<vmem>> -> memref<128xi32, #tpu.memory_space<vmem>>
    %dma_wait3A_254 = arith.constant 0 : i32
    %dma_wait3A_255 = arith.constant 0 : i32
    %dma_wait3A_256 = tpu.memref_slice %arg3[%dma_wait3A_254, %dma_wait3A_255] : memref<62500x128xf32, #tpu.memory_space<hbm>> -> memref<62500x128xf32, #tpu.memory_space<hbm>>
    tpu.wait_indirect_dma semaphore(%arg16 : memref<!tpu.dma_semaphore, #tpu.memory_space<semaphore_mem>>) src(%dma_wait3A_256 : memref<62500x128xf32, #tpu.memory_space<hbm>>) dst(%arg12 : memref<128x128xf32, #tpu.memory_space<vmem>>)
    %dma_wait3A_257 = arith.constant 1 : i32
    %dma_wait3A_258 = arith.constant 384 : i32
    %dma_wait3A_259 = tpu.memref_slice %arg11[%dma_wait3A_257, %dma_wait3A_258] : memref<4x512xi32, #tpu.memory_space<vmem>> -> memref<1x128xi32, #tpu.memory_space<vmem>>
    %dma_wait3A_260 = tpu.memref_squeeze %dma_wait3A_259 : memref<1x128xi32, #tpu.memory_space<vmem>> -> memref<128xi32, #tpu.memory_space<vmem>>
    %dma_wait3A_261 = arith.constant 0 : i32
    %dma_wait3A_262 = arith.constant 0 : i32
    %dma_wait3A_263 = tpu.memref_slice %arg4[%dma_wait3A_261, %dma_wait3A_262] : memref<62500x128xf32, #tpu.memory_space<hbm>> -> memref<62500x128xf32, #tpu.memory_space<hbm>>
    tpu.wait_indirect_dma semaphore(%arg16 : memref<!tpu.dma_semaphore, #tpu.memory_space<semaphore_mem>>) src(%dma_wait3A_263 : memref<62500x128xf32, #tpu.memory_space<hbm>>) dst(%arg13 : memref<128x128xf32, #tpu.memory_space<vmem>>)
    %dma_wait3A_264 = arith.constant 2 : i32
    %dma_wait3A_265 = arith.constant 384 : i32
    %dma_wait3A_266 = tpu.memref_slice %arg11[%dma_wait3A_264, %dma_wait3A_265] : memref<4x512xi32, #tpu.memory_space<vmem>> -> memref<1x128xi32, #tpu.memory_space<vmem>>
    %dma_wait3A_267 = tpu.memref_squeeze %dma_wait3A_266 : memref<1x128xi32, #tpu.memory_space<vmem>> -> memref<128xi32, #tpu.memory_space<vmem>>
    %dma_wait3A_268 = arith.constant 0 : i32
    %dma_wait3A_269 = arith.constant 0 : i32
    %dma_wait3A_270 = tpu.memref_slice %arg5[%dma_wait3A_268, %dma_wait3A_269] : memref<125000x128xf32, #tpu.memory_space<hbm>> -> memref<125000x128xf32, #tpu.memory_space<hbm>>
    tpu.wait_indirect_dma semaphore(%arg16 : memref<!tpu.dma_semaphore, #tpu.memory_space<semaphore_mem>>) src(%dma_wait3A_270 : memref<125000x128xf32, #tpu.memory_space<hbm>>) dst(%arg14 : memref<128x128xf32, #tpu.memory_space<vmem>>)
    %dma_wait3A_271 = arith.constant 3 : i32
    %dma_wait3A_272 = arith.constant 384 : i32
    %dma_wait3A_273 = tpu.memref_slice %arg11[%dma_wait3A_271, %dma_wait3A_272] : memref<4x512xi32, #tpu.memory_space<vmem>> -> memref<1x128xi32, #tpu.memory_space<vmem>>
    %dma_wait3A_274 = tpu.memref_squeeze %dma_wait3A_273 : memref<1x128xi32, #tpu.memory_space<vmem>> -> memref<128xi32, #tpu.memory_space<vmem>>
    %dma_wait3A_275 = arith.constant 0 : i32
    %dma_wait3A_276 = arith.constant 0 : i32
    %dma_wait3A_277 = tpu.memref_slice %arg6[%dma_wait3A_275, %dma_wait3A_276] : memref<125000x128xf32, #tpu.memory_space<hbm>> -> memref<125000x128xf32, #tpu.memory_space<hbm>>
    tpu.wait_indirect_dma semaphore(%arg16 : memref<!tpu.dma_semaphore, #tpu.memory_space<semaphore_mem>>) src(%dma_wait3A_277 : memref<125000x128xf32, #tpu.memory_space<hbm>>) dst(%arg15 : memref<128x128xf32, #tpu.memory_space<vmem>>)
    %mul3A_278 = arith.constant 512 : i32
    %mul3A_279 = arith.muli %add3A, %mul3A_278 : i32
    %add3A_280 = arith.constant 384 : i32
    %add3A_281 = arith.addi %mul3A_279, %add3A_280 : i32
    "tpu.region"() ({
      %run_scoped3A_294 = tpu.sem_alloc : memref<!tpu.dma_semaphore, #tpu.memory_space<semaphore_mem>>
      %dma_start3A_295 = arith.constant 0 : i32
      %dma_start3A_296 = tpu.memref_slice %arg7[%add3A_281, %dma_start3A_295] : memref<16384x128xf32, #tpu.memory_space<hbm>> -> memref<128x128xf32, #tpu.memory_space<hbm>>
      %dma_start3A_297 = arith.constant 0 : i32
      %dma_start3A_298 = tpu.memref_slice %arg7[%add3A_281, %dma_start3A_297] : memref<16384x128xf32, #tpu.memory_space<hbm>> -> memref<128x128xf32, #tpu.memory_space<hbm>>
      tpu.enqueue_dma source(%arg12 : memref<128x128xf32, #tpu.memory_space<vmem>>) target(%dma_start3A_298 : memref<128x128xf32, #tpu.memory_space<hbm>>) target_semaphore(%run_scoped3A_294 : memref<!tpu.dma_semaphore, #tpu.memory_space<semaphore_mem>>)
      %dma_wait3A_299 = arith.constant 0 : i32
      %dma_wait3A_300 = tpu.memref_slice %arg7[%add3A_281, %dma_wait3A_299] : memref<16384x128xf32, #tpu.memory_space<hbm>> -> memref<128x128xf32, #tpu.memory_space<hbm>>
      %dma_wait3A_301 = arith.constant 0 : i32
      %dma_wait3A_302 = tpu.memref_slice %arg7[%add3A_281, %dma_wait3A_301] : memref<16384x128xf32, #tpu.memory_space<hbm>> -> memref<128x128xf32, #tpu.memory_space<hbm>>
      tpu.wait_dma2 semaphore(%run_scoped3A_294 : memref<!tpu.dma_semaphore, #tpu.memory_space<semaphore_mem>>) src(%arg12 : memref<128x128xf32, #tpu.memory_space<vmem>>) dst(%dma_wait3A_302 : memref<128x128xf32, #tpu.memory_space<hbm>>)
      tpu.yield
    }) : () -> ()
    %mul3A_282 = arith.constant 512 : i32
    %mul3A_283 = arith.muli %add3A, %mul3A_282 : i32
    %add3A_284 = arith.constant 384 : i32
    %add3A_285 = arith.addi %mul3A_283, %add3A_284 : i32
    "tpu.region"() ({
      %run_scoped3A_294 = tpu.sem_alloc : memref<!tpu.dma_semaphore, #tpu.memory_space<semaphore_mem>>
      %dma_start3A_295 = arith.constant 0 : i32
      %dma_start3A_296 = tpu.memref_slice %arg8[%add3A_285, %dma_start3A_295] : memref<16384x128xf32, #tpu.memory_space<hbm>> -> memref<128x128xf32, #tpu.memory_space<hbm>>
      %dma_start3A_297 = arith.constant 0 : i32
      %dma_start3A_298 = tpu.memref_slice %arg8[%add3A_285, %dma_start3A_297] : memref<16384x128xf32, #tpu.memory_space<hbm>> -> memref<128x128xf32, #tpu.memory_space<hbm>>
      tpu.enqueue_dma source(%arg13 : memref<128x128xf32, #tpu.memory_space<vmem>>) target(%dma_start3A_298 : memref<128x128xf32, #tpu.memory_space<hbm>>) target_semaphore(%run_scoped3A_294 : memref<!tpu.dma_semaphore, #tpu.memory_space<semaphore_mem>>)
      %dma_wait3A_299 = arith.constant 0 : i32
      %dma_wait3A_300 = tpu.memref_slice %arg8[%add3A_285, %dma_wait3A_299] : memref<16384x128xf32, #tpu.memory_space<hbm>> -> memref<128x128xf32, #tpu.memory_space<hbm>>
      %dma_wait3A_301 = arith.constant 0 : i32
      %dma_wait3A_302 = tpu.memref_slice %arg8[%add3A_285, %dma_wait3A_301] : memref<16384x128xf32, #tpu.memory_space<hbm>> -> memref<128x128xf32, #tpu.memory_space<hbm>>
      tpu.wait_dma2 semaphore(%run_scoped3A_294 : memref<!tpu.dma_semaphore, #tpu.memory_space<semaphore_mem>>) src(%arg13 : memref<128x128xf32, #tpu.memory_space<vmem>>) dst(%dma_wait3A_302 : memref<128x128xf32, #tpu.memory_space<hbm>>)
      tpu.yield
    }) : () -> ()
    %mul3A_286 = arith.constant 512 : i32
    %mul3A_287 = arith.muli %add3A, %mul3A_286 : i32
    %add3A_288 = arith.constant 384 : i32
    %add3A_289 = arith.addi %mul3A_287, %add3A_288 : i32
    "tpu.region"() ({
      %run_scoped3A_294 = tpu.sem_alloc : memref<!tpu.dma_semaphore, #tpu.memory_space<semaphore_mem>>
      %dma_start3A_295 = arith.constant 0 : i32
      %dma_start3A_296 = tpu.memref_slice %arg9[%add3A_289, %dma_start3A_295] : memref<16384x128xf32, #tpu.memory_space<hbm>> -> memref<128x128xf32, #tpu.memory_space<hbm>>
      %dma_start3A_297 = arith.constant 0 : i32
      %dma_start3A_298 = tpu.memref_slice %arg9[%add3A_289, %dma_start3A_297] : memref<16384x128xf32, #tpu.memory_space<hbm>> -> memref<128x128xf32, #tpu.memory_space<hbm>>
      tpu.enqueue_dma source(%arg14 : memref<128x128xf32, #tpu.memory_space<vmem>>) target(%dma_start3A_298 : memref<128x128xf32, #tpu.memory_space<hbm>>) target_semaphore(%run_scoped3A_294 : memref<!tpu.dma_semaphore, #tpu.memory_space<semaphore_mem>>)
      %dma_wait3A_299 = arith.constant 0 : i32
      %dma_wait3A_300 = tpu.memref_slice %arg9[%add3A_289, %dma_wait3A_299] : memref<16384x128xf32, #tpu.memory_space<hbm>> -> memref<128x128xf32, #tpu.memory_space<hbm>>
      %dma_wait3A_301 = arith.constant 0 : i32
      %dma_wait3A_302 = tpu.memref_slice %arg9[%add3A_289, %dma_wait3A_301] : memref<16384x128xf32, #tpu.memory_space<hbm>> -> memref<128x128xf32, #tpu.memory_space<hbm>>
      tpu.wait_dma2 semaphore(%run_scoped3A_294 : memref<!tpu.dma_semaphore, #tpu.memory_space<semaphore_mem>>) src(%arg14 : memref<128x128xf32, #tpu.memory_space<vmem>>) dst(%dma_wait3A_302 : memref<128x128xf32, #tpu.memory_space<hbm>>)
      tpu.yield
    }) : () -> ()
    %mul3A_290 = arith.constant 512 : i32
    %mul3A_291 = arith.muli %add3A, %mul3A_290 : i32
    %add3A_292 = arith.constant 384 : i32
    %add3A_293 = arith.addi %mul3A_291, %add3A_292 : i32
    "tpu.region"() ({
      %run_scoped3A_294 = tpu.sem_alloc : memref<!tpu.dma_semaphore, #tpu.memory_space<semaphore_mem>>
      %dma_start3A_295 = arith.constant 0 : i32
      %dma_start3A_296 = tpu.memref_slice %arg10[%add3A_293, %dma_start3A_295] : memref<16384x128xf32, #tpu.memory_space<hbm>> -> memref<128x128xf32, #tpu.memory_space<hbm>>
      %dma_start3A_297 = arith.constant 0 : i32
      %dma_start3A_298 = tpu.memref_slice %arg10[%add3A_293, %dma_start3A_297] : memref<16384x128xf32, #tpu.memory_space<hbm>> -> memref<128x128xf32, #tpu.memory_space<hbm>>
      tpu.enqueue_dma source(%arg15 : memref<128x128xf32, #tpu.memory_space<vmem>>) target(%dma_start3A_298 : memref<128x128xf32, #tpu.memory_space<hbm>>) target_semaphore(%run_scoped3A_294 : memref<!tpu.dma_semaphore, #tpu.memory_space<semaphore_mem>>)
      %dma_wait3A_299 = arith.constant 0 : i32
      %dma_wait3A_300 = tpu.memref_slice %arg10[%add3A_293, %dma_wait3A_299] : memref<16384x128xf32, #tpu.memory_space<hbm>> -> memref<128x128xf32, #tpu.memory_space<hbm>>
      %dma_wait3A_301 = arith.constant 0 : i32
      %dma_wait3A_302 = tpu.memref_slice %arg10[%add3A_293, %dma_wait3A_301] : memref<16384x128xf32, #tpu.memory_space<hbm>> -> memref<128x128xf32, #tpu.memory_space<hbm>>
      tpu.wait_dma2 semaphore(%run_scoped3A_294 : memref<!tpu.dma_semaphore, #tpu.memory_space<semaphore_mem>>) src(%arg15 : memref<128x128xf32, #tpu.memory_space<vmem>>) dst(%dma_wait3A_302 : memref<128x128xf32, #tpu.memory_space<hbm>>)
      tpu.yield
    }) : () -> ()
    return
  }
}

module attributes {stable_mosaic.version = 14 : i64} {
  func.func @_head_tc_body(%arg0: i32, %arg1: memref<1024x1xi32, #tpu.memory_space<vmem>>, %arg2: memref<1024x1xi32, #tpu.memory_space<vmem>>, %arg3: memref<1024x128xf32, #tpu.memory_space<vmem>>, %arg4: memref<1024x128xf32, #tpu.memory_space<vmem>>, %arg5: memref<1024x128xf32, #tpu.memory_space<vmem>>, %arg6: memref<1024x128xf32, #tpu.memory_space<vmem>>, %arg7: memref<16x16xf32, #tpu.memory_space<vmem>>, %arg8: memref<16x16xf32, #tpu.memory_space<vmem>>, %arg9: memref<1x16xf32, #tpu.memory_space<vmem>>, %arg10: memref<16x8xf32, #tpu.memory_space<vmem>>, %arg11: memref<1x8xf32, #tpu.memory_space<vmem>>, %arg12: memref<8x1xf32, #tpu.memory_space<vmem>>, %arg13: memref<8x1xf32, #tpu.memory_space<vmem>>, %arg14: memref<1x1xf32, #tpu.memory_space<vmem>>, %arg15: memref<1024x1xf32, #tpu.memory_space<vmem>>) attributes {dimension_semantics = [#tpu.dimension_semantics<arbitrary>], iteration_bounds = array<i64: 16>, scalar_prefetch = 0 : i64, scratch_operands = 0 : i64, tpu.core_type = #tpu.core_type<tc>, window_params = [{transform_indices = @transform_0, window_bounds = array<i64: 1024, 1>}, {transform_indices = @transform_1, window_bounds = array<i64: 1024, 1>}, {transform_indices = @transform_2, window_bounds = array<i64: 1024, 128>}, {transform_indices = @transform_3, window_bounds = array<i64: 1024, 128>}, {transform_indices = @transform_4, window_bounds = array<i64: 1024, 128>}, {transform_indices = @transform_5, window_bounds = array<i64: 1024, 128>}, {pipeline_mode = #tpu.pipeline_mode<synchronous>, transform_indices = @transform_6, window_bounds = array<i64: 16, 16>}, {pipeline_mode = #tpu.pipeline_mode<synchronous>, transform_indices = @transform_7, window_bounds = array<i64: 16, 16>}, {pipeline_mode = #tpu.pipeline_mode<synchronous>, transform_indices = @transform_8, window_bounds = array<i64: 1, 16>}, {pipeline_mode = #tpu.pipeline_mode<synchronous>, transform_indices = @transform_9, window_bounds = array<i64: 16, 8>}, {pipeline_mode = #tpu.pipeline_mode<synchronous>, transform_indices = @transform_10, window_bounds = array<i64: 1, 8>}, {pipeline_mode = #tpu.pipeline_mode<synchronous>, transform_indices = @transform_11, window_bounds = array<i64: 8, 1>}, {pipeline_mode = #tpu.pipeline_mode<synchronous>, transform_indices = @transform_12, window_bounds = array<i64: 8, 1>}, {pipeline_mode = #tpu.pipeline_mode<synchronous>, transform_indices = @transform_13, window_bounds = array<i64: 1, 1>}, {transform_indices = @transform_14, window_bounds = array<i64: 1024, 1>}]} {
    %iota3A = tpu.iota {dimensions = array<i32: 1>} : vector<1024x128xi32>
    %iota3A_0 = tpu.iota {dimensions = array<i32: 0>} : vector<128x8xi32>
    %jit3A = arith.constant 8 : i32
    %eq3A = arith.constant 0 : i32
    %eq3A_1 = arith.cmpi eq, %jit3A, %eq3A : i32
    %jit3A_2 = arith.constant 1 : i32
    %select_n3A = arith.select %eq3A_1, %jit3A_2, %jit3A : i32
    %rem3A = vector.broadcast %select_n3A : i32 to vector<128x8xi32>
    %rem3A_3 = arith.remsi %iota3A_0, %rem3A : vector<128x8xi32>
    %ne3A = arith.constant 0 : i32
    %ne3A_4 = vector.broadcast %ne3A : i32 to vector<128x8xi32>
    %ne3A_5 = arith.cmpi ne, %rem3A_3, %ne3A_4 : vector<128x8xi32>
    %lt3A = arith.constant 0 : i32
    %lt3A_6 = vector.broadcast %lt3A : i32 to vector<128x8xi32>
    %lt3A_7 = arith.cmpi slt, %rem3A_3, %lt3A_6 : vector<128x8xi32>
    %lt3A_8 = arith.constant 0 : i32
    %lt3A_9 = arith.cmpi slt, %select_n3A, %lt3A_8 : i32
    %ne3A_10 = vector.broadcast %lt3A_9 : i1 to vector<128x8xi1>
    %ne3A_11 = vector.broadcast %ne3A_10 : vector<128x8xi1> to vector<128x8xi1>
    %ne3A_12 = arith.xori %lt3A_7, %ne3A_11 : vector<128x8xi1>
    %and3A = arith.andi %ne3A_12, %ne3A_5 : vector<128x8xi1>
    %add3A = vector.broadcast %select_n3A : i32 to vector<128x8xi32>
    %add3A_13 = arith.addi %rem3A_3, %add3A : vector<128x8xi32>
    %select_n3A_14 = arith.select %and3A, %add3A_13, %rem3A_3 : vector<128x8xi1>, vector<128x8xi32>
    %iota3A_15 = tpu.iota {dimensions = array<i32: 1>} : vector<128x8xi32>
    %eq3A_16 = arith.cmpi eq, %select_n3A_14, %iota3A_15 : vector<128x8xi32>
    %convert_element_type3A = arith.extui %eq3A_16 : vector<128x8xi1> to vector<128x8xi32>
    %convert_element_type3A_17 = arith.sitofp %convert_element_type3A : vector<128x8xi32> to vector<128x8xf32>
    %iota3A_18 = tpu.iota {dimensions = array<i32: 0>} : vector<128x16xi32>
    %jit3A_19 = arith.constant 16 : i32
    %eq3A_20 = arith.constant 0 : i32
    %eq3A_21 = arith.cmpi eq, %jit3A_19, %eq3A_20 : i32
    %jit3A_22 = arith.constant 1 : i32
    %select_n3A_23 = arith.select %eq3A_21, %jit3A_22, %jit3A_19 : i32
    %rem3A_24 = vector.broadcast %select_n3A_23 : i32 to vector<128x16xi32>
    %rem3A_25 = arith.remsi %iota3A_18, %rem3A_24 : vector<128x16xi32>
    %ne3A_26 = arith.constant 0 : i32
    %ne3A_27 = vector.broadcast %ne3A_26 : i32 to vector<128x16xi32>
    %ne3A_28 = arith.cmpi ne, %rem3A_25, %ne3A_27 : vector<128x16xi32>
    %lt3A_29 = arith.constant 0 : i32
    %lt3A_30 = vector.broadcast %lt3A_29 : i32 to vector<128x16xi32>
    %lt3A_31 = arith.cmpi slt, %rem3A_25, %lt3A_30 : vector<128x16xi32>
    %lt3A_32 = arith.constant 0 : i32
    %lt3A_33 = arith.cmpi slt, %select_n3A_23, %lt3A_32 : i32
    %ne3A_34 = vector.broadcast %lt3A_33 : i1 to vector<128x16xi1>
    %ne3A_35 = vector.broadcast %ne3A_34 : vector<128x16xi1> to vector<128x16xi1>
    %ne3A_36 = arith.xori %lt3A_31, %ne3A_35 : vector<128x16xi1>
    %and3A_37 = arith.andi %ne3A_36, %ne3A_28 : vector<128x16xi1>
    %add3A_38 = vector.broadcast %select_n3A_23 : i32 to vector<128x16xi32>
    %add3A_39 = arith.addi %rem3A_25, %add3A_38 : vector<128x16xi32>
    %select_n3A_40 = arith.select %and3A_37, %add3A_39, %rem3A_25 : vector<128x16xi1>, vector<128x16xi32>
    %iota3A_41 = tpu.iota {dimensions = array<i32: 1>} : vector<128x16xi32>
    %eq3A_42 = arith.cmpi eq, %select_n3A_40, %iota3A_41 : vector<128x16xi32>
    %convert_element_type3A_43 = arith.extui %eq3A_42 : vector<128x16xi1> to vector<128x16xi32>
    %convert_element_type3A_44 = arith.sitofp %convert_element_type3A_43 : vector<128x16xi32> to vector<128x16xf32>
    %get3A = arith.constant 0 : index
    %get3A_45 = arith.constant 0 : index
    %get3A_46 = vector.load %arg1[%get3A, %get3A_45] : memref<1024x1xi32, #tpu.memory_space<vmem>>, vector<1024x1xi32>
    %jit3A_47 = arith.constant 16 : i32
    %eq3A_48 = arith.constant 0 : i32
    %eq3A_49 = arith.cmpi eq, %jit3A_47, %eq3A_48 : i32
    %jit3A_50 = arith.constant 1 : i32
    %select_n3A_51 = arith.select %eq3A_49, %jit3A_50, %jit3A_47 : i32
    %rem3A_52 = vector.broadcast %select_n3A_51 : i32 to vector<1024x1xi32>
    %rem3A_53 = arith.remsi %get3A_46, %rem3A_52 : vector<1024x1xi32>
    %ne3A_54 = arith.constant 0 : i32
    %ne3A_55 = vector.broadcast %ne3A_54 : i32 to vector<1024x1xi32>
    %ne3A_56 = arith.cmpi ne, %rem3A_53, %ne3A_55 : vector<1024x1xi32>
    %lt3A_57 = arith.constant 0 : i32
    %lt3A_58 = vector.broadcast %lt3A_57 : i32 to vector<1024x1xi32>
    %lt3A_59 = arith.cmpi slt, %rem3A_53, %lt3A_58 : vector<1024x1xi32>
    %lt3A_60 = arith.constant 0 : i32
    %lt3A_61 = arith.cmpi slt, %select_n3A_51, %lt3A_60 : i32
    %ne3A_62 = vector.broadcast %lt3A_61 : i1 to vector<1024x1xi1>
    %ne3A_63 = vector.broadcast %ne3A_62 : vector<1024x1xi1> to vector<1024x1xi1>
    %ne3A_64 = arith.xori %lt3A_59, %ne3A_63 : vector<1024x1xi1>
    %and3A_65 = arith.andi %ne3A_64, %ne3A_56 : vector<1024x1xi1>
    %add3A_66 = vector.broadcast %select_n3A_51 : i32 to vector<1024x1xi32>
    %add3A_67 = arith.addi %rem3A_53, %add3A_66 : vector<1024x1xi32>
    %select_n3A_68 = arith.select %and3A_65, %add3A_67, %rem3A_53 : vector<1024x1xi1>, vector<1024x1xi32>
    %get3A_69 = arith.constant 0 : index
    %get3A_70 = arith.constant 0 : index
    %get3A_71 = vector.load %arg2[%get3A_69, %get3A_70] : memref<1024x1xi32, #tpu.memory_space<vmem>>, vector<1024x1xi32>
    %jit3A_72 = arith.constant 16 : i32
    %eq3A_73 = arith.constant 0 : i32
    %eq3A_74 = arith.cmpi eq, %jit3A_72, %eq3A_73 : i32
    %jit3A_75 = arith.constant 1 : i32
    %select_n3A_76 = arith.select %eq3A_74, %jit3A_75, %jit3A_72 : i32
    %rem3A_77 = vector.broadcast %select_n3A_76 : i32 to vector<1024x1xi32>
    %rem3A_78 = arith.remsi %get3A_71, %rem3A_77 : vector<1024x1xi32>
    %ne3A_79 = arith.constant 0 : i32
    %ne3A_80 = vector.broadcast %ne3A_79 : i32 to vector<1024x1xi32>
    %ne3A_81 = arith.cmpi ne, %rem3A_78, %ne3A_80 : vector<1024x1xi32>
    %lt3A_82 = arith.constant 0 : i32
    %lt3A_83 = vector.broadcast %lt3A_82 : i32 to vector<1024x1xi32>
    %lt3A_84 = arith.cmpi slt, %rem3A_78, %lt3A_83 : vector<1024x1xi32>
    %lt3A_85 = arith.constant 0 : i32
    %lt3A_86 = arith.cmpi slt, %select_n3A_76, %lt3A_85 : i32
    %ne3A_87 = vector.broadcast %lt3A_86 : i1 to vector<1024x1xi1>
    %ne3A_88 = vector.broadcast %ne3A_87 : vector<1024x1xi1> to vector<1024x1xi1>
    %ne3A_89 = arith.xori %lt3A_84, %ne3A_88 : vector<1024x1xi1>
    %and3A_90 = arith.andi %ne3A_89, %ne3A_81 : vector<1024x1xi1>
    %add3A_91 = vector.broadcast %select_n3A_76 : i32 to vector<1024x1xi32>
    %add3A_92 = arith.addi %rem3A_78, %add3A_91 : vector<1024x1xi32>
    %select_n3A_93 = arith.select %and3A_90, %add3A_92, %rem3A_78 : vector<1024x1xi1>, vector<1024x1xi32>
    %get3A_94 = arith.constant 0 : index
    %get3A_95 = arith.constant 0 : index
    %get3A_96 = vector.load %arg1[%get3A_94, %get3A_95] : memref<1024x1xi32, #tpu.memory_space<vmem>>, vector<1024x1xi32>
    %jit3A_97 = arith.constant 8 : i32
    %eq3A_98 = arith.constant 0 : i32
    %eq3A_99 = arith.cmpi eq, %jit3A_97, %eq3A_98 : i32
    %jit3A_100 = arith.constant 1 : i32
    %select_n3A_101 = arith.select %eq3A_99, %jit3A_100, %jit3A_97 : i32
    %rem3A_102 = vector.broadcast %select_n3A_101 : i32 to vector<1024x1xi32>
    %rem3A_103 = arith.remsi %get3A_96, %rem3A_102 : vector<1024x1xi32>
    %ne3A_104 = arith.constant 0 : i32
    %ne3A_105 = vector.broadcast %ne3A_104 : i32 to vector<1024x1xi32>
    %ne3A_106 = arith.cmpi ne, %rem3A_103, %ne3A_105 : vector<1024x1xi32>
    %lt3A_107 = arith.constant 0 : i32
    %lt3A_108 = vector.broadcast %lt3A_107 : i32 to vector<1024x1xi32>
    %lt3A_109 = arith.cmpi slt, %rem3A_103, %lt3A_108 : vector<1024x1xi32>
    %lt3A_110 = arith.constant 0 : i32
    %lt3A_111 = arith.cmpi slt, %select_n3A_101, %lt3A_110 : i32
    %ne3A_112 = vector.broadcast %lt3A_111 : i1 to vector<1024x1xi1>
    %ne3A_113 = vector.broadcast %ne3A_112 : vector<1024x1xi1> to vector<1024x1xi1>
    %ne3A_114 = arith.xori %lt3A_109, %ne3A_113 : vector<1024x1xi1>
    %and3A_115 = arith.andi %ne3A_114, %ne3A_106 : vector<1024x1xi1>
    %add3A_116 = vector.broadcast %select_n3A_101 : i32 to vector<1024x1xi32>
    %add3A_117 = arith.addi %rem3A_103, %add3A_116 : vector<1024x1xi32>
    %select_n3A_118 = arith.select %and3A_115, %add3A_117, %rem3A_103 : vector<1024x1xi1>, vector<1024x1xi32>
    %get3A_119 = arith.constant 0 : index
    %get3A_120 = arith.constant 0 : index
    %get3A_121 = vector.load %arg2[%get3A_119, %get3A_120] : memref<1024x1xi32, #tpu.memory_space<vmem>>, vector<1024x1xi32>
    %jit3A_122 = arith.constant 8 : i32
    %eq3A_123 = arith.constant 0 : i32
    %eq3A_124 = arith.cmpi eq, %jit3A_122, %eq3A_123 : i32
    %jit3A_125 = arith.constant 1 : i32
    %select_n3A_126 = arith.select %eq3A_124, %jit3A_125, %jit3A_122 : i32
    %rem3A_127 = vector.broadcast %select_n3A_126 : i32 to vector<1024x1xi32>
    %rem3A_128 = arith.remsi %get3A_121, %rem3A_127 : vector<1024x1xi32>
    %ne3A_129 = arith.constant 0 : i32
    %ne3A_130 = vector.broadcast %ne3A_129 : i32 to vector<1024x1xi32>
    %ne3A_131 = arith.cmpi ne, %rem3A_128, %ne3A_130 : vector<1024x1xi32>
    %lt3A_132 = arith.constant 0 : i32
    %lt3A_133 = vector.broadcast %lt3A_132 : i32 to vector<1024x1xi32>
    %lt3A_134 = arith.cmpi slt, %rem3A_128, %lt3A_133 : vector<1024x1xi32>
    %lt3A_135 = arith.constant 0 : i32
    %lt3A_136 = arith.cmpi slt, %select_n3A_126, %lt3A_135 : i32
    %ne3A_137 = vector.broadcast %lt3A_136 : i1 to vector<1024x1xi1>
    %ne3A_138 = vector.broadcast %ne3A_137 : vector<1024x1xi1> to vector<1024x1xi1>
    %ne3A_139 = arith.xori %lt3A_134, %ne3A_138 : vector<1024x1xi1>
    %and3A_140 = arith.andi %ne3A_139, %ne3A_131 : vector<1024x1xi1>
    %add3A_141 = vector.broadcast %select_n3A_126 : i32 to vector<1024x1xi32>
    %add3A_142 = arith.addi %rem3A_128, %add3A_141 : vector<1024x1xi32>
    %select_n3A_143 = arith.select %and3A_140, %add3A_142, %rem3A_128 : vector<1024x1xi1>, vector<1024x1xi32>
    %jit3A_144 = arith.constant 8 : i32
    %div3A = vector.broadcast %jit3A_144 : i32 to vector<1024x128xi32>
    %div3A_145 = arith.divsi %iota3A, %div3A : vector<1024x128xi32>
    %sign3A = arith.constant 0 : i32
    %sign3A_146 = vector.broadcast %sign3A : i32 to vector<1024x128xi32>
    %sign3A_147 = arith.cmpi sgt, %iota3A, %sign3A_146 : vector<1024x128xi32>
    %sign3A_148 = arith.extui %sign3A_147 : vector<1024x128xi1> to vector<1024x128xi32>
    %sign3A_149 = arith.constant 0 : i32
    %sign3A_150 = vector.broadcast %sign3A_149 : i32 to vector<1024x128xi32>
    %sign3A_151 = arith.cmpi slt, %iota3A, %sign3A_150 : vector<1024x128xi32>
    %sign3A_152 = arith.extui %sign3A_151 : vector<1024x128xi1> to vector<1024x128xi32>
    %sign3A_153 = arith.subi %sign3A_148, %sign3A_152 : vector<1024x128xi32>
    %sign3A_154 = arith.constant 0 : i32
    %sign3A_155 = arith.cmpi sgt, %jit3A_144, %sign3A_154 : i32
    %sign3A_156 = arith.extui %sign3A_155 : i1 to i32
    %sign3A_157 = arith.constant 0 : i32
    %sign3A_158 = arith.cmpi slt, %jit3A_144, %sign3A_157 : i32
    %sign3A_159 = arith.extui %sign3A_158 : i1 to i32
    %sign3A_160 = arith.subi %sign3A_156, %sign3A_159 : i32
    %ne3A_161 = vector.broadcast %sign3A_160 : i32 to vector<1024x128xi32>
    %ne3A_162 = arith.cmpi ne, %sign3A_153, %ne3A_161 : vector<1024x128xi32>
    %rem3A_163 = vector.broadcast %jit3A_144 : i32 to vector<1024x128xi32>
    %rem3A_164 = arith.remsi %iota3A, %rem3A_163 : vector<1024x128xi32>
    %ne3A_165 = arith.constant 0 : i32
    %ne3A_166 = vector.broadcast %ne3A_165 : i32 to vector<1024x128xi32>
    %ne3A_167 = arith.cmpi ne, %rem3A_164, %ne3A_166 : vector<1024x128xi32>
    %and3A_168 = arith.andi %ne3A_162, %ne3A_167 : vector<1024x128xi1>
    %sub3A = arith.constant 1 : i32
    %sub3A_169 = vector.broadcast %sub3A : i32 to vector<1024x128xi32>
    %sub3A_170 = arith.subi %div3A_145, %sub3A_169 : vector<1024x128xi32>
    %select_n3A_171 = arith.select %and3A_168, %sub3A_170, %div3A_145 : vector<1024x128xi1>, vector<1024x128xi32>
    %eq3A_172 = vector.broadcast %select_n3A_68 : vector<1024x1xi32> to vector<1024x128xi32>
    %eq3A_173 = arith.cmpi eq, %select_n3A_171, %eq3A_172 : vector<1024x128xi32>
    %get3A_174 = arith.constant 0 : index
    %get3A_175 = arith.constant 0 : index
    %get3A_176 = vector.load %arg3[%get3A_174, %get3A_175] : memref<1024x128xf32, #tpu.memory_space<vmem>>, vector<1024x128xf32>
    %jit3A_177 = arith.constant 0.000000e+00 : f32
    %broadcast_in_dim3A = vector.broadcast %jit3A_177 : f32 to vector<1024x128xf32>
    %select_n3A_178 = arith.select %eq3A_173, %get3A_176, %broadcast_in_dim3A : vector<1024x128xi1>, vector<1024x128xf32>
    %dot_general3A = arith.constant dense<0.000000e+00> : vector<1024x8xf32>
    %dot_general3A_179 = tpu.matmul %select_n3A_178, %convert_element_type3A_17, %dot_general3A {dimension_numbers = #tpu.dot_dimension_numbers<[1], [0], [0], [1], [0, 0, 1, 1], [], []>, transpose_lhs_hint = false} : vector<1024x128xf32>, vector<128x8xf32>, vector<1024x8xf32> -> vector<1024x8xf32>
    %jit3A_180 = arith.constant 8 : i32
    %div3A_181 = vector.broadcast %jit3A_180 : i32 to vector<1024x128xi32>
    %div3A_182 = arith.divsi %iota3A, %div3A_181 : vector<1024x128xi32>
    %sign3A_183 = arith.constant 0 : i32
    %sign3A_184 = vector.broadcast %sign3A_183 : i32 to vector<1024x128xi32>
    %sign3A_185 = arith.cmpi sgt, %iota3A, %sign3A_184 : vector<1024x128xi32>
    %sign3A_186 = arith.extui %sign3A_185 : vector<1024x128xi1> to vector<1024x128xi32>
    %sign3A_187 = arith.constant 0 : i32
    %sign3A_188 = vector.broadcast %sign3A_187 : i32 to vector<1024x128xi32>
    %sign3A_189 = arith.cmpi slt, %iota3A, %sign3A_188 : vector<1024x128xi32>
    %sign3A_190 = arith.extui %sign3A_189 : vector<1024x128xi1> to vector<1024x128xi32>
    %sign3A_191 = arith.subi %sign3A_186, %sign3A_190 : vector<1024x128xi32>
    %sign3A_192 = arith.constant 0 : i32
    %sign3A_193 = arith.cmpi sgt, %jit3A_180, %sign3A_192 : i32
    %sign3A_194 = arith.extui %sign3A_193 : i1 to i32
    %sign3A_195 = arith.constant 0 : i32
    %sign3A_196 = arith.cmpi slt, %jit3A_180, %sign3A_195 : i32
    %sign3A_197 = arith.extui %sign3A_196 : i1 to i32
    %sign3A_198 = arith.subi %sign3A_194, %sign3A_197 : i32
    %ne3A_199 = vector.broadcast %sign3A_198 : i32 to vector<1024x128xi32>
    %ne3A_200 = arith.cmpi ne, %sign3A_191, %ne3A_199 : vector<1024x128xi32>
    %rem3A_201 = vector.broadcast %jit3A_180 : i32 to vector<1024x128xi32>
    %rem3A_202 = arith.remsi %iota3A, %rem3A_201 : vector<1024x128xi32>
    %ne3A_203 = arith.constant 0 : i32
    %ne3A_204 = vector.broadcast %ne3A_203 : i32 to vector<1024x128xi32>
    %ne3A_205 = arith.cmpi ne, %rem3A_202, %ne3A_204 : vector<1024x128xi32>
    %and3A_206 = arith.andi %ne3A_200, %ne3A_205 : vector<1024x128xi1>
    %sub3A_207 = arith.constant 1 : i32
    %sub3A_208 = vector.broadcast %sub3A_207 : i32 to vector<1024x128xi32>
    %sub3A_209 = arith.subi %div3A_182, %sub3A_208 : vector<1024x128xi32>
    %select_n3A_210 = arith.select %and3A_206, %sub3A_209, %div3A_182 : vector<1024x128xi1>, vector<1024x128xi32>
    %eq3A_211 = vector.broadcast %select_n3A_93 : vector<1024x1xi32> to vector<1024x128xi32>
    %eq3A_212 = arith.cmpi eq, %select_n3A_210, %eq3A_211 : vector<1024x128xi32>
    %get3A_213 = arith.constant 0 : index
    %get3A_214 = arith.constant 0 : index
    %get3A_215 = vector.load %arg4[%get3A_213, %get3A_214] : memref<1024x128xf32, #tpu.memory_space<vmem>>, vector<1024x128xf32>
    %jit3A_216 = arith.constant 0.000000e+00 : f32
    %broadcast_in_dim3A_217 = vector.broadcast %jit3A_216 : f32 to vector<1024x128xf32>
    %select_n3A_218 = arith.select %eq3A_212, %get3A_215, %broadcast_in_dim3A_217 : vector<1024x128xi1>, vector<1024x128xf32>
    %dot_general3A_219 = arith.constant dense<0.000000e+00> : vector<1024x8xf32>
    %dot_general3A_220 = tpu.matmul %select_n3A_218, %convert_element_type3A_17, %dot_general3A_219 {dimension_numbers = #tpu.dot_dimension_numbers<[1], [0], [0], [1], [0, 0, 1, 1], [], []>, transpose_lhs_hint = false} : vector<1024x128xf32>, vector<128x8xf32>, vector<1024x8xf32> -> vector<1024x8xf32>
    %jit3A_221 = arith.constant 16 : i32
    %div3A_222 = vector.broadcast %jit3A_221 : i32 to vector<1024x128xi32>
    %div3A_223 = arith.divsi %iota3A, %div3A_222 : vector<1024x128xi32>
    %sign3A_224 = arith.constant 0 : i32
    %sign3A_225 = vector.broadcast %sign3A_224 : i32 to vector<1024x128xi32>
    %sign3A_226 = arith.cmpi sgt, %iota3A, %sign3A_225 : vector<1024x128xi32>
    %sign3A_227 = arith.extui %sign3A_226 : vector<1024x128xi1> to vector<1024x128xi32>
    %sign3A_228 = arith.constant 0 : i32
    %sign3A_229 = vector.broadcast %sign3A_228 : i32 to vector<1024x128xi32>
    %sign3A_230 = arith.cmpi slt, %iota3A, %sign3A_229 : vector<1024x128xi32>
    %sign3A_231 = arith.extui %sign3A_230 : vector<1024x128xi1> to vector<1024x128xi32>
    %sign3A_232 = arith.subi %sign3A_227, %sign3A_231 : vector<1024x128xi32>
    %sign3A_233 = arith.constant 0 : i32
    %sign3A_234 = arith.cmpi sgt, %jit3A_221, %sign3A_233 : i32
    %sign3A_235 = arith.extui %sign3A_234 : i1 to i32
    %sign3A_236 = arith.constant 0 : i32
    %sign3A_237 = arith.cmpi slt, %jit3A_221, %sign3A_236 : i32
    %sign3A_238 = arith.extui %sign3A_237 : i1 to i32
    %sign3A_239 = arith.subi %sign3A_235, %sign3A_238 : i32
    %ne3A_240 = vector.broadcast %sign3A_239 : i32 to vector<1024x128xi32>
    %ne3A_241 = arith.cmpi ne, %sign3A_232, %ne3A_240 : vector<1024x128xi32>
    %rem3A_242 = vector.broadcast %jit3A_221 : i32 to vector<1024x128xi32>
    %rem3A_243 = arith.remsi %iota3A, %rem3A_242 : vector<1024x128xi32>
    %ne3A_244 = arith.constant 0 : i32
    %ne3A_245 = vector.broadcast %ne3A_244 : i32 to vector<1024x128xi32>
    %ne3A_246 = arith.cmpi ne, %rem3A_243, %ne3A_245 : vector<1024x128xi32>
    %and3A_247 = arith.andi %ne3A_241, %ne3A_246 : vector<1024x128xi1>
    %sub3A_248 = arith.constant 1 : i32
    %sub3A_249 = vector.broadcast %sub3A_248 : i32 to vector<1024x128xi32>
    %sub3A_250 = arith.subi %div3A_223, %sub3A_249 : vector<1024x128xi32>
    %select_n3A_251 = arith.select %and3A_247, %sub3A_250, %div3A_223 : vector<1024x128xi1>, vector<1024x128xi32>
    %eq3A_252 = vector.broadcast %select_n3A_118 : vector<1024x1xi32> to vector<1024x128xi32>
    %eq3A_253 = arith.cmpi eq, %select_n3A_251, %eq3A_252 : vector<1024x128xi32>
    %get3A_254 = arith.constant 0 : index
    %get3A_255 = arith.constant 0 : index
    %get3A_256 = vector.load %arg5[%get3A_254, %get3A_255] : memref<1024x128xf32, #tpu.memory_space<vmem>>, vector<1024x128xf32>
    %jit3A_257 = arith.constant 0.000000e+00 : f32
    %broadcast_in_dim3A_258 = vector.broadcast %jit3A_257 : f32 to vector<1024x128xf32>
    %select_n3A_259 = arith.select %eq3A_253, %get3A_256, %broadcast_in_dim3A_258 : vector<1024x128xi1>, vector<1024x128xf32>
    %dot_general3A_260 = arith.constant dense<0.000000e+00> : vector<1024x16xf32>
    %dot_general3A_261 = tpu.matmul %select_n3A_259, %convert_element_type3A_44, %dot_general3A_260 {dimension_numbers = #tpu.dot_dimension_numbers<[1], [0], [0], [1], [0, 0, 1, 1], [], []>, transpose_lhs_hint = false} : vector<1024x128xf32>, vector<128x16xf32>, vector<1024x16xf32> -> vector<1024x16xf32>
    %jit3A_262 = arith.constant 16 : i32
    %div3A_263 = vector.broadcast %jit3A_262 : i32 to vector<1024x128xi32>
    %div3A_264 = arith.divsi %iota3A, %div3A_263 : vector<1024x128xi32>
    %sign3A_265 = arith.constant 0 : i32
    %sign3A_266 = vector.broadcast %sign3A_265 : i32 to vector<1024x128xi32>
    %sign3A_267 = arith.cmpi sgt, %iota3A, %sign3A_266 : vector<1024x128xi32>
    %sign3A_268 = arith.extui %sign3A_267 : vector<1024x128xi1> to vector<1024x128xi32>
    %sign3A_269 = arith.constant 0 : i32
    %sign3A_270 = vector.broadcast %sign3A_269 : i32 to vector<1024x128xi32>
    %sign3A_271 = arith.cmpi slt, %iota3A, %sign3A_270 : vector<1024x128xi32>
    %sign3A_272 = arith.extui %sign3A_271 : vector<1024x128xi1> to vector<1024x128xi32>
    %sign3A_273 = arith.subi %sign3A_268, %sign3A_272 : vector<1024x128xi32>
    %sign3A_274 = arith.constant 0 : i32
    %sign3A_275 = arith.cmpi sgt, %jit3A_262, %sign3A_274 : i32
    %sign3A_276 = arith.extui %sign3A_275 : i1 to i32
    %sign3A_277 = arith.constant 0 : i32
    %sign3A_278 = arith.cmpi slt, %jit3A_262, %sign3A_277 : i32
    %sign3A_279 = arith.extui %sign3A_278 : i1 to i32
    %sign3A_280 = arith.subi %sign3A_276, %sign3A_279 : i32
    %ne3A_281 = vector.broadcast %sign3A_280 : i32 to vector<1024x128xi32>
    %ne3A_282 = arith.cmpi ne, %sign3A_273, %ne3A_281 : vector<1024x128xi32>
    %rem3A_283 = vector.broadcast %jit3A_262 : i32 to vector<1024x128xi32>
    %rem3A_284 = arith.remsi %iota3A, %rem3A_283 : vector<1024x128xi32>
    %ne3A_285 = arith.constant 0 : i32
    %ne3A_286 = vector.broadcast %ne3A_285 : i32 to vector<1024x128xi32>
    %ne3A_287 = arith.cmpi ne, %rem3A_284, %ne3A_286 : vector<1024x128xi32>
    %and3A_288 = arith.andi %ne3A_282, %ne3A_287 : vector<1024x128xi1>
    %sub3A_289 = arith.constant 1 : i32
    %sub3A_290 = vector.broadcast %sub3A_289 : i32 to vector<1024x128xi32>
    %sub3A_291 = arith.subi %div3A_264, %sub3A_290 : vector<1024x128xi32>
    %select_n3A_292 = arith.select %and3A_288, %sub3A_291, %div3A_264 : vector<1024x128xi1>, vector<1024x128xi32>
    %eq3A_293 = vector.broadcast %select_n3A_143 : vector<1024x1xi32> to vector<1024x128xi32>
    %eq3A_294 = arith.cmpi eq, %select_n3A_292, %eq3A_293 : vector<1024x128xi32>
    %get3A_295 = arith.constant 0 : index
    %get3A_296 = arith.constant 0 : index
    %get3A_297 = vector.load %arg6[%get3A_295, %get3A_296] : memref<1024x128xf32, #tpu.memory_space<vmem>>, vector<1024x128xf32>
    %jit3A_298 = arith.constant 0.000000e+00 : f32
    %broadcast_in_dim3A_299 = vector.broadcast %jit3A_298 : f32 to vector<1024x128xf32>
    %select_n3A_300 = arith.select %eq3A_294, %get3A_297, %broadcast_in_dim3A_299 : vector<1024x128xi1>, vector<1024x128xf32>
    %dot_general3A_301 = arith.constant dense<0.000000e+00> : vector<1024x16xf32>
    %dot_general3A_302 = tpu.matmul %select_n3A_300, %convert_element_type3A_44, %dot_general3A_301 {dimension_numbers = #tpu.dot_dimension_numbers<[1], [0], [0], [1], [0, 0, 1, 1], [], []>, transpose_lhs_hint = false} : vector<1024x128xf32>, vector<128x16xf32>, vector<1024x16xf32> -> vector<1024x16xf32>
    %mul3A = arith.mulf %dot_general3A_179, %dot_general3A_220 : vector<1024x8xf32>
    %get3A_303 = arith.constant 0 : index
    %get3A_304 = arith.constant 0 : index
    %get3A_305 = vector.load %arg7[%get3A_303, %get3A_304] : memref<16x16xf32, #tpu.memory_space<vmem>>, vector<16x16xf32>
    %dot_general3A_306 = arith.constant dense<0.000000e+00> : vector<1024x16xf32>
    %dot_general3A_307 = tpu.matmul %dot_general3A_261, %get3A_305, %dot_general3A_306 {dimension_numbers = #tpu.dot_dimension_numbers<[1], [0], [0], [1], [0, 0, 1, 1], [], []>, transpose_lhs_hint = false} : vector<1024x16xf32>, vector<16x16xf32>, vector<1024x16xf32> -> vector<1024x16xf32>
    %get3A_308 = arith.constant 0 : index
    %get3A_309 = arith.constant 0 : index
    %get3A_310 = vector.load %arg8[%get3A_308, %get3A_309] : memref<16x16xf32, #tpu.memory_space<vmem>>, vector<16x16xf32>
    %dot_general3A_311 = arith.constant dense<0.000000e+00> : vector<1024x16xf32>
    %dot_general3A_312 = tpu.matmul %dot_general3A_302, %get3A_310, %dot_general3A_311 {dimension_numbers = #tpu.dot_dimension_numbers<[1], [0], [0], [1], [0, 0, 1, 1], [], []>, transpose_lhs_hint = false} : vector<1024x16xf32>, vector<16x16xf32>, vector<1024x16xf32> -> vector<1024x16xf32>
    %add3A_313 = arith.addf %dot_general3A_307, %dot_general3A_312 : vector<1024x16xf32>
    %get3A_314 = arith.constant 0 : index
    %get3A_315 = arith.constant 0 : index
    %get3A_316 = vector.load %arg9[%get3A_314, %get3A_315] : memref<1x16xf32, #tpu.memory_space<vmem>>, vector<1x16xf32>
    %add3A_317 = vector.broadcast %get3A_316 : vector<1x16xf32> to vector<1024x16xf32>
    %add3A_318 = arith.addf %add3A_313, %add3A_317 : vector<1024x16xf32>
    %max3A = arith.constant 0.000000e+00 : f32
    %max3A_319 = vector.broadcast %max3A : f32 to vector<1024x16xf32>
    %max3A_320 = arith.maximumf %add3A_318, %max3A_319 : vector<1024x16xf32>
    %get3A_321 = arith.constant 0 : index
    %get3A_322 = arith.constant 0 : index
    %get3A_323 = vector.load %arg10[%get3A_321, %get3A_322] : memref<16x8xf32, #tpu.memory_space<vmem>>, vector<16x8xf32>
    %dot_general3A_324 = arith.constant dense<0.000000e+00> : vector<1024x8xf32>
    %dot_general3A_325 = tpu.matmul %max3A_320, %get3A_323, %dot_general3A_324 {dimension_numbers = #tpu.dot_dimension_numbers<[1], [0], [0], [1], [0, 0, 1, 1], [], []>, transpose_lhs_hint = false} : vector<1024x16xf32>, vector<16x8xf32>, vector<1024x8xf32> -> vector<1024x8xf32>
    %get3A_326 = arith.constant 0 : index
    %get3A_327 = arith.constant 0 : index
    %get3A_328 = vector.load %arg11[%get3A_326, %get3A_327] : memref<1x8xf32, #tpu.memory_space<vmem>>, vector<1x8xf32>
    %add3A_329 = vector.broadcast %get3A_328 : vector<1x8xf32> to vector<1024x8xf32>
    %add3A_330 = arith.addf %dot_general3A_325, %add3A_329 : vector<1024x8xf32>
    %max3A_331 = arith.constant 0.000000e+00 : f32
    %max3A_332 = vector.broadcast %max3A_331 : f32 to vector<1024x8xf32>
    %max3A_333 = arith.maximumf %add3A_330, %max3A_332 : vector<1024x8xf32>
    %get3A_334 = arith.constant 0 : index
    %get3A_335 = arith.constant 0 : index
    %get3A_336 = vector.load %arg12[%get3A_334, %get3A_335] : memref<8x1xf32, #tpu.memory_space<vmem>>, vector<8x1xf32>
    %dot_general3A_337 = arith.constant dense<0.000000e+00> : vector<1024x1xf32>
    %dot_general3A_338 = tpu.matmul %mul3A, %get3A_336, %dot_general3A_337 {dimension_numbers = #tpu.dot_dimension_numbers<[1], [0], [0], [1], [0, 0, 1, 1], [], []>, transpose_lhs_hint = false} : vector<1024x8xf32>, vector<8x1xf32>, vector<1024x1xf32> -> vector<1024x1xf32>
    %get3A_339 = arith.constant 0 : index
    %get3A_340 = arith.constant 0 : index
    %get3A_341 = vector.load %arg13[%get3A_339, %get3A_340] : memref<8x1xf32, #tpu.memory_space<vmem>>, vector<8x1xf32>
    %dot_general3A_342 = arith.constant dense<0.000000e+00> : vector<1024x1xf32>
    %dot_general3A_343 = tpu.matmul %max3A_333, %get3A_341, %dot_general3A_342 {dimension_numbers = #tpu.dot_dimension_numbers<[1], [0], [0], [1], [0, 0, 1, 1], [], []>, transpose_lhs_hint = false} : vector<1024x8xf32>, vector<8x1xf32>, vector<1024x1xf32> -> vector<1024x1xf32>
    %add3A_344 = arith.addf %dot_general3A_338, %dot_general3A_343 : vector<1024x1xf32>
    %get3A_345 = arith.constant 0 : index
    %get3A_346 = arith.constant 0 : index
    %get3A_347 = vector.load %arg14[%get3A_345, %get3A_346] : memref<1x1xf32, #tpu.memory_space<vmem>>, vector<1x1xf32>
    %add3A_348 = vector.broadcast %get3A_347 : vector<1x1xf32> to vector<1024x1xf32>
    %add3A_349 = arith.addf %add3A_344, %add3A_348 : vector<1024x1xf32>
    %logistic3A = arith.negf %add3A_349 : vector<1024x1xf32>
    %logistic3A_350 = math.exp %logistic3A : vector<1024x1xf32>
    %logistic3A_351 = arith.constant 1.000000e+00 : f32
    %logistic3A_352 = vector.broadcast %logistic3A_351 : f32 to vector<1024x1xf32>
    %logistic3A_353 = arith.addf %logistic3A_352, %logistic3A_350 : vector<1024x1xf32>
    %logistic3A_354 = arith.divf %logistic3A_352, %logistic3A_353 : vector<1024x1xf32>
    %swap3A = arith.constant 0 : index
    %swap3A_355 = arith.constant 0 : index
    %swap3A_356 = vector.load %arg15[%swap3A, %swap3A_355] : memref<1024x1xf32, #tpu.memory_space<vmem>>, vector<1024x1xf32>
    tpu.vector_store %arg15[%swap3A, %swap3A_355], %logistic3A_354 {strides = array<i32>} : memref<1024x1xf32, #tpu.memory_space<vmem>>, vector<1024x1xf32>,
    return
  }
  func.func @transform_0(%arg0: i32) -> (i32, i32) {
    %c0_i32 = arith.constant 0 : i32
    %c0_i32_0 = arith.constant 0 : i32
    return %arg0, %c0_i32 : i32, i32
  }
  func.func @transform_1(%arg0: i32) -> (i32, i32) {
    %c0_i32 = arith.constant 0 : i32
    %c0_i32_0 = arith.constant 0 : i32
    return %arg0, %c0_i32 : i32, i32
  }
  func.func @transform_2(%arg0: i32) -> (i32, i32) {
    %c0_i32 = arith.constant 0 : i32
    %c0_i32_0 = arith.constant 0 : i32
    return %arg0, %c0_i32 : i32, i32
  }
  func.func @transform_3(%arg0: i32) -> (i32, i32) {
    %c0_i32 = arith.constant 0 : i32
    %c0_i32_0 = arith.constant 0 : i32
    return %arg0, %c0_i32 : i32, i32
  }
  func.func @transform_4(%arg0: i32) -> (i32, i32) {
    %c0_i32 = arith.constant 0 : i32
    %c0_i32_0 = arith.constant 0 : i32
    return %arg0, %c0_i32 : i32, i32
  }
  func.func @transform_5(%arg0: i32) -> (i32, i32) {
    %c0_i32 = arith.constant 0 : i32
    %c0_i32_0 = arith.constant 0 : i32
    return %arg0, %c0_i32 : i32, i32
  }
  func.func @transform_6(%arg0: i32) -> (i32, i32) {
    %c0_i32 = arith.constant 0 : i32
    %c0_i32_0 = arith.constant 0 : i32
    %c0_i32_1 = arith.constant 0 : i32
    return %c0_i32, %c0_i32_0 : i32, i32
  }
  func.func @transform_7(%arg0: i32) -> (i32, i32) {
    %c0_i32 = arith.constant 0 : i32
    %c0_i32_0 = arith.constant 0 : i32
    %c0_i32_1 = arith.constant 0 : i32
    return %c0_i32, %c0_i32_0 : i32, i32
  }
  func.func @transform_8(%arg0: i32) -> (i32, i32) {
    %c0_i32 = arith.constant 0 : i32
    %c0_i32_0 = arith.constant 0 : i32
    %c0_i32_1 = arith.constant 0 : i32
    return %c0_i32, %c0_i32_0 : i32, i32
  }
  func.func @transform_9(%arg0: i32) -> (i32, i32) {
    %c0_i32 = arith.constant 0 : i32
    %c0_i32_0 = arith.constant 0 : i32
    %c0_i32_1 = arith.constant 0 : i32
    return %c0_i32, %c0_i32_0 : i32, i32
  }
  func.func @transform_10(%arg0: i32) -> (i32, i32) {
    %c0_i32 = arith.constant 0 : i32
    %c0_i32_0 = arith.constant 0 : i32
    %c0_i32_1 = arith.constant 0 : i32
    return %c0_i32, %c0_i32_0 : i32, i32
  }
  func.func @transform_11(%arg0: i32) -> (i32, i32) {
    %c0_i32 = arith.constant 0 : i32
    %c0_i32_0 = arith.constant 0 : i32
    %c0_i32_1 = arith.constant 0 : i32
    return %c0_i32, %c0_i32_0 : i32, i32
  }
  func.func @transform_12(%arg0: i32) -> (i32, i32) {
    %c0_i32 = arith.constant 0 : i32
    %c0_i32_0 = arith.constant 0 : i32
    %c0_i32_1 = arith.constant 0 : i32
    return %c0_i32, %c0_i32_0 : i32, i32
  }
  func.func @transform_13(%arg0: i32) -> (i32, i32) {
    %c0_i32 = arith.constant 0 : i32
    %c0_i32_0 = arith.constant 0 : i32
    %c0_i32_1 = arith.constant 0 : i32
    return %c0_i32, %c0_i32_0 : i32, i32
  }
  func.func @transform_14(%arg0: i32) -> (i32, i32) {
    %c0_i32 = arith.constant 0 : i32
    %c0_i32_0 = arith.constant 0 : i32
    return %arg0, %c0_i32 : i32, i32
  }
}

</mosaic_0001>

<sc_bundles>
// kernel: kernel.4.cloned.1.call-start
scs
__scs_entry_jumppad:
0x0: {  	(pc) =	sbr.rel $0x88, $3  }
0x1: {  	(tag) =	ssettag $0x0;
	lr =	simm.s32 $0x1  }
0x2: {  	[smem:$0x3F95] =	sst lr;
	_ =	strace $0xD0000000  }
0x3: {  	_ = 	snop  }
0x4: {  	_ = 	snop  }
0x5: {  	_ = 	snop  }
0x6: {  	_ = 	snop  }
0x7: {  	_ = 	snop  }
__scs_overlays_trampoline_lowered:
0x8: {  	[smem:$0x3FA4] =	sst s0  }
0x9: {  	[smem:$0x3FA5] =	sst s1  }
0xa: {  	[smem:$0x3FA6] =	sst s2  }
0xb: {  	[smem:$0x3FA7] =	sst s3  }
0xc: {  	[smem:$0x3FA8] =	sst s4  }
0xd: {  	[smem:$0x3FA9] =	sst s5  }
0xe: {  	[smem:$0x3FAA] =	sst s6  }
0xf: {  	[smem:$0x3FAB] =	sst s7  }
0x10: {  	[smem:$0x3FAC] =	sst s8  }
0x11: {  	[smem:$0x3FAD] =	sst s9;
	s0 =	simm.s32 @!p0 $0x0  }
0x12: {  	s1 =	sld [smem:$0x3F93];
	s0 =	simm.s32 @p0 $0x1  }
0x13: {  	[smem:$0x3FAE] =	sst s0;
	s0 =	simm.s32 @!p1 $0x0  }
0x14: {  	s2 =	sld [smem:$0x3F92];
	s0 =	simm.s32 @p1 $0x1  }
0x15: {  	[smem:$0x3FAF] =	sst s0;
	s0 =	simm.s32 @!p2 $0x0  }
0x16: {  	s3 =	sld [smem:$0x3FDB];
	s0 =	simm.s32 @p2 $0x1  }
0x17: {  	s4 =	simm.s32 $0x1BF5;
	[smem:$0x3FB1] =	sst s0  }
0x18: {  	s0 =	sld [smem:$0x3F94];
	_ =	swait.ge [sflag:s4], $0x0  }
0x19: {  	s7 =	sld [smem:$0x3F95]  }
0x1a: {  	s8 =	sadd.s32 $0xFFFFE003, lr  }
0x1b: {  	s9 =	sadd.s32 $0xFFFFFEF7, lr;
	s5 =	simm.s32 $0xFFFFFFFF;
	p2 =	slt.u32 s8, $0xFFFFF086  }
0x1c: {  	p1 =	slt.u32 s9, $0xF7A;
	s5 =	simm.s32 @!p2 $0x0  }
0x1d: {  	s5 =	simm.s32 @p1 $0x1;
	p0 =	seq.s32 s7, s2  }
0x1e: {  	s7 =	smul.u32 @!p0 $0xF7A, s2;
	p2 =	seq.s32 @!p0 s5, $0x0  }
0x1f: {  	s9 =	smul.u32 $0xF7A, s1;
	s8 =	simm.s32 @!p0 $0x1BF5;
	p2 =	por !p2, p0  }
0x20: {  	[sflag:s8] =	ssyncset.s32 @!p0 $0xFFFFF086;
	s6 =	sadd.s32 @!p0 s3, s7;
	s7 =	simm.s32 @!p0 $0x108  }
0x21: {  	s3 =	sadd.s32 s3, s9;
	s6 =	sadd.s32 @!p0 $0x88, s6;
	s7 =	simm.s32 @p2 $0x1082  }
0x22: {  	[simem:s7], [sflag:s8] =	dma.local @!p0 [hbm:s6], $0xF7A  }
0x23: {  	s9 =	sor.u32 $0xD0000000, s2;
	s6 =	simm.s32 $0x108;
	_ =	swait.ge @!p0 [sflag:s8], $0x0  }
0x24: {  	s3 =	sadd.s32 $0x88, s3;
	s6 =	simm.s32 @!p1 $0x1082;
	[sflag:s4] =	ssyncset.s32 $0xFFFFF086  }
0x25: {  	[simem:s6], [sflag:s4] =	dma.local [hbm:s3], $0xF7A  }
0x26: {  	[smem:$0x3F95] =	sst s1;
	(tag) =	ssettag s2;
	_ =	strace s9  }
0x27: {  	s1 =	sld [smem:$0x3FA5]  }
0x28: {  	s2 =	sld [smem:$0x3FA6]  }
0x29: {  	s4 =	sld [smem:$0x3FA8]  }
0x2a: {  	p0 =	seq.s32 s5, $0x0;
	s5 =	sld [smem:$0x3FA9]  }
0x2b: {  	s6 =	sld [smem:$0x3FAA]  }
0x2c: {  	s7 =	sld [smem:$0x3FAB]  }
0x2d: {  	s3 =	simm.s32 $0x108;
	s8 =	sld [smem:$0x3FAC]  }
0x2e: {  	s3 =	simm.s32 @!p0 $0x1082;
	s9 =	sld [smem:$0x3FAD]  }
0x2f: {  	lr =	sadd.s32 s0, s3;
	s0 =	sld [smem:$0x3FA4]  }
0x30: {  	s3 =	sld [smem:$0x3FA7]  }
0x31: {  	[smem:$0x3FB0] =	sst s10  }
0x32: {  	s10 =	sld [smem:$0x3FAE];
	_ =	sdelay $0x3  }
0x33: {  	p0 =	seq.s32 s10, $0x1;
	s10 =	sld [smem:$0x3FB0];
	_ =	sdelay $0x3  }
0x34: {  	[smem:$0x3FB0] =	sst s10  }
0x35: {  	s10 =	sld [smem:$0x3FAF];
	_ =	sdelay $0x3  }
0x36: {  	p1 =	seq.s32 s10, $0x1;
	s10 =	sld [smem:$0x3FB0];
	_ =	sdelay $0x3  }
0x37: {  	[smem:$0x3FB0] =	sst s10  }
0x38: {  	s10 =	sld [smem:$0x3FB1]  }
0x39: {  	_ = 	snop;
	(pc) =	sbr.ind lr, $3  }
0x3a: {  	_ = 	snop  }
0x3b: {  	_ = 	snop  }
0x3c: {  	p2 =	seq.s32 s10, $0x1;
	s10 =	sld [smem:$0x3FB0]  }
0x3d: {  	_ =	shalt  }
0x3e: {  	_ =	shalt  }
0x3f: {  	_ =	shalt  }
0x40: {  	_ =	shalt  }
0x41: {  	_ =	shalt  }
0x42: {  	_ =	shalt  }
0x43: {  	_ =	shalt  }
0x44: {  	_ =	shalt  }
0x45: {  	_ =	shalt  }
0x46: {  	_ =	shalt  }
0x47: {  	_ =	shalt  }
0x48: {  	_ =	shalt  }
0x49: {  	_ =	shalt  }
0x4a: {  	_ =	shalt  }
0x4b: {  	_ =	shalt  }
0x4c: {  	_ =	shalt  }
0x4d: {  	_ =	shalt  }
0x4e: {  	_ =	shalt  }
0x4f: {  	_ =	shalt  }
0x50: {  	_ =	shalt  }
0x51: {  	_ =	shalt  }
0x52: {  	_ =	shalt  }
0x53: {  	_ =	shalt  }
0x54: {  	_ =	shalt  }
0x55: {  	_ =	shalt  }
0x56: {  	_ =	shalt  }
0x57: {  	_ =	shalt  }
0x58: {  	_ =	shalt  }
0x59: {  	_ =	shalt  }
0x5a: {  	_ =	shalt  }
0x5b: {  	_ =	shalt  }
0x5c: {  	_ =	shalt  }
0x5d: {  	_ =	shalt  }
0x5e: {  	_ =	shalt  }
0x5f: {  	_ =	shalt  }
0x60: {  	_ =	shalt  }
0x61: {  	_ =	shalt  }
0x62: {  	_ =	shalt  }
0x63: {  	_ =	shalt  }
0x64: {  	_ =	shalt  }
0x65: {  	_ =	shalt  }
0x66: {  	_ =	shalt  }
0x67: {  	_ =	shalt  }
0x68: {  	_ =	shalt  }
0x69: {  	_ =	shalt  }
0x6a: {  	_ =	shalt  }
0x6b: {  	_ =	shalt  }
0x6c: {  	_ =	shalt  }
0x6d: {  	_ =	shalt  }
0x6e: {  	_ =	shalt  }
0x6f: {  	_ =	shalt  }
0x70: {  	_ =	shalt  }
0x71: {  	_ =	shalt  }
0x72: {  	_ =	shalt  }
0x73: {  	_ =	shalt  }
0x74: {  	_ =	shalt  }
0x75: {  	_ =	shalt  }
0x76: {  	_ =	shalt  }
0x77: {  	_ =	shalt  }
0x78: {  	_ =	shalt  }
0x79: {  	_ =	shalt  }
0x7a: {  	_ =	shalt  }
0x7b: {  	_ =	shalt  }
0x7c: {  	_ =	shalt  }
0x7d: {  	_ =	shalt  }
0x7e: {  	_ =	shalt  }
0x7f: {  	_ =	shalt  }
0x80: {  	_ =	shalt  }
0x81: {  	_ =	shalt  }
0x82: {  	_ =	shalt  }
0x83: {  	_ =	shalt  }
0x84: {  	_ =	shalt  }
0x85: {  	_ =	shalt  }
0x86: {  	_ =	shalt  }
0x87: {  	_ =	shalt  }
.Lfunc_end0:
.L_simem_size_0:
called_computation_lowered:
.L_overlay_start_0:
0x88: {  	s2 =	sld [smem:$0x3FD9]  }
0x89: {  	s3 =	sld [smem:$0x3FFE];
	_ =	sdelay $0x1  }
0x8a: {  	s1 =	srdreg.scid  }
0x8b: {  	s0 =	sand.u32 $0x1, s1  }
0x8c: {  	s16 =	sshll.u32 s0, $0xA;
	s2 =	sadd.s32 s3, s2  }
0x8d: {  	s2 =	sadd.s32 s2, s16  }
0x8e: {  	[smem:$0x3FBC] =	sst s2  }
0x8f: {  	_ = 	snop  }
0x90: {  	(tm) =	ssettm $0x1  }
0x91: {  	s17 =	sld [smem:$0x3FFB];
	_ =	sdelay $0x3  }
0x92: {  	_ =	strace s17  }
0x93: {  	s2 =	sld [smem:$0x3FFC];
	_ =	sdelay $0x3  }
0x94: {  	_ =	strace s2  }
0x95: {  	s2 =	sld [smem:$0x3FFD];
	_ =	sdelay $0x3  }
0x96: {  	_ =	strace s2  }
0x97: {  	_ =	strace $0x8FFFFFFF  }
0x98: {  	s18 =	sld [smem:$0x3FDB];
	_ =	sdelay $0x1  }
0x99: {  	s19 =	simm.s32 $_scs_section_size  }
0x9a: {  	s4 =	simm.s32 $_size__tile_overlayer_lowered;
	s5 =	simm.s32 $_tile_overlayer_lowered  }
0x9b: {  	s22 =	simm.s32 $0x1BFF;
	s21 =	sshll.u32 s5, $0x1;
	s2 =	sadd.s32 s19, s18  }
0x9c: {  	s6 =	simm.s32 $0x0;
	s20 =	sshll.u32 s4, $0x1;
	s4 =	sadd.s32 s21, s2  }
0x9d: {  	[timem:s6], [sflag:s22] =	dma.local [hbm:s4], s20  }
0x9e: {  	_ =	swait.ge [sflag:s22], s20  }
0x9f: {  	s3 =	ssub.s32 $0x0, s20;
	[sflag:s22] =	ssyncset.done $0x0  }
0xa0: {  	[sflag:s22] =	ssyncadd.s32 s3;
	_ =	sdelay $0x1  }
0xa1: {  	s23 =	simm.s32 $0x1B8B  }
0xa2: {  	_ =	swait.ge [sflag:s23], $0x1  }
0xa3: {  	[sflag:s23] =	ssyncset.done $0x0  }
0xa4: {  	s25 =	simm.s32 $0x1B8E;
	s24 =	sld [smem:$0x3FFE];
	[sflag:s23] =	ssyncadd.s32 $0xFFFFFFFF  }
0xa5: {  	s26 =	simm.s32 $execute0_lowered;
	[smem:$0x3FD2] =	sst s25  }
0xa6: {  	s4 =	sshll.u32 s26, $0x1;
	_ =	strace $0x80000046;
	[dreg:$0x1] =	wrdreg $0xFFFFFFFF  }
0xa7: {  	s28 =	simm.s32 $_size_execute0_lowered;
	s2 =	sadd.s32 s2, s4;
	[dreg:$0x0] =	wrdreg $0x0  }
0xa8: {  	s4 =	sshll.u32 s28, $0x1;
	[dreg:$0x2] =	wrdreg s2  }
0xa9: {  	[dreg:$0x3] =	wrdreg s4  }
0xaa: {  	[dreg:$0x4] =	wrdreg $0xC0  }
0xab: {  	_ =	task [dreg:s6], $0x5FFFF  }
0xac: {  	[dreg:$0x1] =	wrdreg $0xFFFFFFFF  }
0xad: {  	[dreg:$0x0] =	wrdreg $0x60  }
0xae: {  	[dreg:$0x2] =	wrdreg s24  }
0xaf: {  	[dreg:$0x3] =	wrdreg $0x9  }
0xb0: {  	_ =	task.clear_ibuf [dreg:s6], $0x4FFFF;
	_ =	strace $0x90000046  }
0xb1: {  	s29 =	simm.s32 $0x9;
	_ =	strace $0x80000048  }
0xb2: {  	_ =	swait.ge [sflag:s29], $0x1  }
0xb3: {  	[sflag:s29] =	ssyncadd.s32 $0xFFFFFFFF  }
0xb4: {  	_ =	strace $0x90000048  }
0xb5: {  	_ =	sfence  }
0xb6: {  	s30 =	sld [smem:$0x0];
	_ =	sdelay $0x2  }
0xb7: {  	s31 =	sshll.u32 s1, $0xD;
	s1 =	sshrl.u32 s1, $0x2  }
0xb8: {  	s3 =	sand.u32 $0x4000, s31;
	s1 =	sadd.s32 s1, s30  }
0xb9: {  	s0 =	sor.u32 s3, s0;
	s1 =	sshll.u32 s1, $0x11  }
0xba: {  	s0 =	sor.u32 s1, s0  }
0xbb: {  	s0 =	sadd.s32 $0x8F2B, s0  }
0xbc: {  	[sflag:s0] =	ssyncadd.remote.s32 $0x1  }
0xbd: {  	_ =	sfence.sel $0xFFFF  }
0xbe: {  	[dreg:$0x0] =	wrdreg $0xFFFFFFFF;
	(pc) =	sbr.abs _section_cstart, $3  }
0xbf: {  	[dreg:$0x1] =	wrdreg $0xFFFFFFFF  }
0xc0: {  	_ =	task.clear_ibuf [dreg:s6], $0x2FFFF;
	_ =	strace $0x9FFFFFFF  }
0xc1: {  	(tm) =	ssettm $0x7FFFFFFF  }
tec
execute0_lowered:
.L_overlay_start_1:
0x0: {  	(tag) =	ssettag $0x1  }
0x1: {  	s0 =	srdreg.scid;
	s5 =	rddreg [dreg:$0x0]  }
0x2: {  	s2 =	stileid.u32;
	s30 =	rddreg [dreg:$0x1]  }
0x3: {  	s28 =	simm.s32 $0x300;
	s29 =	simm.s32 $0x580;
	p0 =	por $0x0, $0x0  }
0x4: {  	s0 =	sand.u32 $0x1, s0;
	s1 =	sshll.u32 s2, $0x1;
	s3 =	sshll.u32 s2, $0x7  }
0x5: {  	s2 =	simm.s32 $0x0;
	s9 =	sadd.s32 $0x4600, s5;
	s10 =	sadd.s32 $0x44600, s5  }
0x6: {  	s11 =	sadd.s32 $0x84600, s5;
	s12 =	sadd.s32 $0xC4600, s5;
	s1 =	sor.u32 s0, s1  }
0x7: {  	[smem:$0x7FF] =	sst s2;
	s0 =	ssub.s32 $0x2, s0;
	s4 =	sshll.u32 s1, $0x4  }
0x8: {  	_ =	strace $0x80000047;
	s1 =	sshll.u32 s1, $0xD;
	s20 =	sshrl.u32 s0, $0x1  }
0x9: {  	s3 =	sor.u32 s3, s4;
	s25 =	sadd.s32 s9, s1;
	s26 =	sadd.s32 s10, s1  }
0xa: {  	s4 =	sadd.s32 s11, s1;
	s6 =	sadd.s32 s12, s1;
	[dreg:$0x2] =	wrdreg s25  }
0xb: {  	s7 =	sor.u32 $0x800, s1;
	s0 =	ssub.s32 s0, s20;
	[dreg:$0x3] =	wrdreg s26  }
0xc: {  	s20 =	simm.s32 $0x500;
	s3 =	sand.u32 $0x670, s3;
	[dreg:$0x4] =	wrdreg s4  }
0xd: {  	[dreg:$0x5] =	wrdreg s6;
	s13 =	sadd.s32 s9, s7;
	s14 =	sadd.s32 s10, s7  }
0xe: {  	s15 =	sadd.s32 s11, s7;
	s4 =	sadd.s32 s12, s7;
	[dreg:$0x6] =	wrdreg s13  }
0xf: {  	s7 =	sor.u32 $0x1000, s1;
	s1 =	sor.u32 $0x1800, s1;
	[dreg:$0x7] =	wrdreg s14  }
0x10: {  	s0 =	smax.u32 s0, $0x1;
	s8 =	sadd.s32 s3, s5;
	[dreg:$0x8] =	wrdreg s15  }
0x11: {  	[dreg:$0x9] =	wrdreg s4;
	s6 =	sadd.s32 s9, s7;
	s4 =	sadd.s32 $0x140B200, s5  }
0x12: {  	s13 =	sadd.s32 s10, s7;
	s16 =	sadd.s32 s11, s7;
	s17 =	sadd.s32 s12, s7  }
0x13: {  	s7 =	sadd.s32 $0x112E800, s5;
	s18 =	sadd.s32 s9, s1;
	[dreg:$0xa] =	wrdreg s6  }
0x14: {  	s19 =	sadd.s32 s10, s1;
	s21 =	sadd.s32 s11, s1;
	[dreg:$0xb] =	wrdreg s13  }
0x15: {  	s1 =	sadd.s32 s12, s1;
	s11 =	simm.s32 $0x80;
	[dreg:$0xc] =	wrdreg s16  }
0x16: {  	p1 =	sne.s32 s0, $0x1;
	s12 =	simm.s32 $0x780;
	[dreg:$0xd] =	wrdreg s17  }
0x17: {  	s10 =	simm.s32 $0x4800;
	s9 =	simm.s32 $0x8800;
	[dreg:$0xe] =	wrdreg s18  }
0x18: {  	s15 =	simm.s32 $0x1;
	s3 =	sadd.s32 $0x2600, s8;
	[dreg:$0xf] =	wrdreg s19  }
0x19: {  	s6 =	sadd.s32 $0xF46200, s5;
	[dreg:$0x10] =	wrdreg s21;
	s22 =	sadd.s32 $0x2E00, s8  }
0x1a: {  	[dreg:$0x11] =	wrdreg s1;
	s23 =	sadd.s32 $0x2680, s8;
	s24 =	sadd.s32 $0x3600, s8  }
0x1b: {  	s25 =	sadd.s32 $0x2700, s8;
	s31 =	sadd.s32 $0x3E00, s8;
	[dreg:$0x12] =	wrdreg s3  }
0x1c: {  	s26 =	sadd.s32 $0x2780, s8;
	s17 =	simm.s32 $0x400;
	[dreg:$0x16] =	wrdreg s22  }
0x1d: {  	s19 =	simm.s32 $0x480;
	s18 =	simm.s32 $0x700;
	[dreg:$0x17] =	wrdreg s24  }
.Ltmp0:
0x1e: {  	s16 =	simm.s32 $0x380;
	[dreg:$0x13] =	wrdreg s23;
	(pc) =	sbr.rel @!p1 .LBB2_1-.Ltmp0, $4  }
0x1f: {  	s21 =	sadd.s32 $0xFFFFFFFF, s0;
	s13 =	simm.s32 $0x800;
	[dreg:$0x14] =	wrdreg s25  }
0x20: {  	s8 =	simm.s32 $0xC800;
	s3 =	sadd.s32 $0x1316E00, s5;
	[dreg:$0x15] =	wrdreg s26  }
0x21: {  	s25 =	simm.s32 $0x200;
	s23 =	simm.s32 $0x600;
	s5 =	simm.s32 $0x2  }
0x22: {  	s26 =	simm.s32 $0x280;
	s24 =	simm.s32 $0x680;
	s22 =	rddreg [dreg:$0x12]  }
0x23: {  	[tilespmem:s2], [sflag:$0x2] =	stream.linear.gather [hbm4b:s22+s2], $0x80, $0x38;
	[tilespmem:$0x10800] =	vst v63  }
0x24: {  	s0 =	rddreg [dreg:$0x13]  }
0x25: {  	[tilespmem:s25], [sflag:$0x2] =	stream.linear.gather [hbm4b:s0+s2], $0x80, $0x38;
	[tilespmem:$0x10800] =	vst v63  }
0x26: {  	s1 =	rddreg [dreg:$0x14]  }
0x27: {  	[tilespmem:s17], [sflag:$0x2] =	stream.linear.gather [hbm4b:s1+s2], $0x80, $0x38;
	[tilespmem:$0x10800] =	vst v63  }
0x28: {  	s22 =	rddreg [dreg:$0x15]  }
0x29: {  	[tilespmem:s23], [sflag:$0x2] =	stream.linear.gather [hbm4b:s22+s2], $0x80, $0x38;
	[tilespmem:$0x10800] =	vst v63  }
0x2a: {  	_ =	swait.ge [sflag:s5], $0x200  }
0x2b: {  	[sflag:s5] =	ssyncset.done $0x0;
	s25 =	rddreg [dreg:$0x16]  }
0x2c: {  	[sflag:s5] =	ssyncadd.s32 $0xFFFFFE00;
	s14 =	sadd.s32 $0x80, s25  }
0x2d: {  	[tilespmem:s11], [sflag:$0x2] =	stream.linear.gather [hbm4b:s25+s2], $0x80, $0x38;
	[tilespmem:$0x10800] =	vst v63  }
0x2e: {  	s17 =	sadd.s32 $0x100, s25;
	[dreg:$0x18] =	wrdreg s14  }
0x2f: {  	[tilespmem:s26], [sflag:$0x2] =	stream.linear.gather [hbm4b:s14+s2], $0x80, $0x38;
	[tilespmem:$0x10800] =	vst v63  }
0x30: {  	s0 =	sadd.s32 $0x180, s25;
	[dreg:$0x19] =	wrdreg s17  }
0x31: {  	[tilespmem:s19], [sflag:$0x2] =	stream.linear.gather [hbm4b:s17+s2], $0x80, $0x38;
	[tilespmem:$0x10800] =	vst v63  }
0x32: {  	[dreg:$0x1a] =	wrdreg s0  }
0x33: {  	[tilespmem:s24], [sflag:$0x2] =	stream.linear.gather [hbm4b:s0+s2], $0x80, $0x38;
	[tilespmem:$0x10800] =	vst v63  }
0x34: {  	_ =	swait.ge [sflag:s5], $0x200  }
0x35: {  	[sflag:s5] =	ssyncset.done $0x0  }
0x36: {  	s22 =	simm.s32 $0x100;
	s19 =	rddreg [dreg:$0x17];
	[sflag:s5] =	ssyncadd.s32 $0xFFFFFE00  }
0x37: {  	[tilespmem:s22], [sflag:$0x2] =	stream.linear.gather [hbm4b:s19+s2], $0x80, $0x38;
	[tilespmem:$0x10800] =	vst v63  }
0x38: {  	s26 =	sadd.s32 $0x80, s19  }
0x39: {  	[tilespmem:s28], [sflag:$0x2] =	stream.linear.gather [hbm4b:s26+s2], $0x80, $0x38;
	[tilespmem:$0x10800] =	vst v63  }
0x3a: {  	s14 =	sadd.s32 $0x100, s19;
	[dreg:$0x1c] =	wrdreg s26  }
0x3b: {  	[tilespmem:s20], [sflag:$0x2] =	stream.linear.gather [hbm4b:s14+s2], $0x80, $0x38;
	[tilespmem:$0x10800] =	vst v63  }
0x3c: {  	s0 =	sadd.s32 $0x180, s19;
	[dreg:$0x1d] =	wrdreg s14  }
0x3d: {  	[tilespmem:s18], [sflag:$0x2] =	stream.linear.gather [hbm4b:s0+s2], $0x80, $0x38;
	[tilespmem:$0x10800] =	vst v63  }
0x3e: {  	_ =	swait.ge [sflag:s5], $0x200  }
0x3f: {  	[sflag:s5] =	ssyncset.done $0x0  }
0x40: {  	s14 =	simm.s32 $0x180;
	[sflag:s5] =	ssyncadd.s32 $0xFFFFFE00  }
0x41: {  	[tilespmem:s14], [sflag:$0x2] =	stream.linear.gather [hbm4b:s31+s2], $0x80, $0x38;
	[tilespmem:$0x10800] =	vst v63  }
0x42: {  	s17 =	sadd.s32 $0x80, s31  }
0x43: {  	[tilespmem:s16], [sflag:$0x2] =	stream.linear.gather [hbm4b:s17+s2], $0x80, $0x38;
	[tilespmem:$0x10800] =	vst v63  }
0x44: {  	s19 =	sadd.s32 $0x100, s31;
	s26 =	smov.u32 s31  }
0x45: {  	[tilespmem:s29], [sflag:$0x2] =	stream.linear.gather [hbm4b:s19+s2], $0x80, $0x38;
	[tilespmem:$0x10800] =	vst v63  }
0x46: {  	s12 =	simm.s32 $0x780;
	[dreg:$0x1b] =	wrdreg s26;
	s31 =	sadd.s32 $0x180, s31  }
0x47: {  	[tilespmem:s12], [sflag:$0x2] =	stream.linear.gather [hbm4b:s31+s2], $0x80, $0x38;
	[tilespmem:$0x10800] =	vst v63  }
0x48: {  	_ =	swait.ge [sflag:s5], $0x200  }
0x49: {  	[sflag:s5] =	ssyncset.done $0x0  }
0x4a: {  	[sflag:s5] =	ssyncadd.s32 $0xFFFFFE00  }
0x4b: {  	[tilespmem:s13], [sflag:$0x1] =	stream.indirect.gather [hbm4b:s3+s11], $0x80, s2, s11, $0xb8;
	[tilespmem:$0x10800] =	vst v63  }
0x4c: {  	_ = 	snop  }
0x4d: {  	[tilespmem:s10], [sflag:$0x1] =	stream.indirect.gather [hbm4b:s4+s11], $0x80, s11, s11, $0xb8;
	[tilespmem:$0x10800] =	vst v63  }
0x4e: {  	_ = 	snop  }
0x4f: {  	[tilespmem:s9], [sflag:$0x1] =	stream.indirect.gather [hbm4b:s6+s11], $0x80, s22, s11, $0xb8;
	[tilespmem:$0x10800] =	vst v63  }
0x50: {  	_ = 	snop  }
0x51: {  	[tilespmem:s8], [sflag:$0x1] =	stream.indirect.gather [hbm4b:s7+s11], $0x80, s14, s11, $0xb8;
	[tilespmem:$0x10800] =	vst v63  }
0x52: {  	_ =	swait.ge [sflag:s15], $0x4000  }
0x53: {  	[sflag:s15] =	ssyncset.done $0x0  }
0x54: {  	[sflag:s15] =	ssyncadd.s32 $0xFFFFC000  }
0x55: {  	_ =	swait.ge [sflag:s15], $0x4000  }
0x56: {  	[sflag:s15] =	ssyncset.done $0x0  }
0x57: {  	[sflag:s15] =	ssyncadd.s32 $0xFFFFC000  }
0x58: {  	_ =	swait.ge [sflag:s15], $0x4000  }
0x59: {  	[sflag:s15] =	ssyncset.done $0x0  }
0x5a: {  	[sflag:s15] =	ssyncadd.s32 $0xFFFFC000  }
0x5b: {  	_ =	swait.ge [sflag:s15], $0x4000  }
0x5c: {  	[sflag:s15] =	ssyncset.done $0x0  }
0x5d: {  	s20 =	smov.u32 s19;
	s19 =	rddreg [dreg:$0x2];
	[sflag:s15] =	ssyncadd.s32 $0xFFFFC000  }
0x5e: {  	[hbm4b:s19+s2] =	stream.linear.scatter [tilespmem:s13], [sflag:$0x2], $0x4000, $0x38;
	[tilespmem:$0x10800] =	vst v63  }
0x5f: {  	_ =	swait.ge [sflag:s5], $0x4000  }
0x60: {  	[sflag:s5] =	ssyncset.done $0x0  }
0x61: {  	s26 =	smov.u32 s31;
	s31 =	rddreg [dreg:$0x3];
	[sflag:s5] =	ssyncadd.s32 $0xFFFFC000  }
0x62: {  	[hbm4b:s31+s2] =	stream.linear.scatter [tilespmem:s10], [sflag:$0x2], $0x4000, $0x38;
	[tilespmem:$0x10800] =	vst v63  }
0x63: {  	_ =	swait.ge [sflag:s5], $0x4000  }
0x64: {  	[sflag:s5] =	ssyncset.done $0x0  }
0x65: {  	s12 =	rddreg [dreg:$0x4];
	[sflag:s5] =	ssyncadd.s32 $0xFFFFC000  }
0x66: {  	[hbm4b:s12+s2] =	stream.linear.scatter [tilespmem:s9], [sflag:$0x2], $0x4000, $0x38;
	[tilespmem:$0x10800] =	vst v63  }
0x67: {  	_ =	swait.ge [sflag:s5], $0x4000  }
0x68: {  	[sflag:s5] =	ssyncset.done $0x0  }
0x69: {  	s14 =	rddreg [dreg:$0x5];
	[sflag:s5] =	ssyncadd.s32 $0xFFFFC000  }
0x6a: {  	[hbm4b:s14+s2] =	stream.linear.scatter [tilespmem:s8], [sflag:$0x2], $0x4000, $0x38;
	[tilespmem:$0x10800] =	vst v63  }
0x6b: {  	_ =	swait.ge [sflag:s5], $0x4000  }
0x6c: {  	[sflag:s5] =	ssyncset.done $0x0  }
0x6d: {  	s18 =	simm.s32 $0x200;
	[sflag:s5] =	ssyncadd.s32 $0xFFFFC000  }
0x6e: {  	[tilespmem:s13], [sflag:$0x1] =	stream.indirect.gather [hbm4b:s3+s11], $0x80, s18, s11, $0xb8;
	[tilespmem:$0x10800] =	vst v63  }
0x6f: {  	s18 =	simm.s32 $0x280  }
0x70: {  	[tilespmem:s10], [sflag:$0x1] =	stream.indirect.gather [hbm4b:s4+s11], $0x80, s18, s11, $0xb8;
	[tilespmem:$0x10800] =	vst v63  }
0x71: {  	s25 =	simm.s32 $0x300  }
0x72: {  	[tilespmem:s9], [sflag:$0x1] =	stream.indirect.gather [hbm4b:s6+s11], $0x80, s25, s11, $0xb8;
	[tilespmem:$0x10800] =	vst v63  }
0x73: {  	s1 =	smov.u32 s0;
	s0 =	simm.s32 $0x380  }
0x74: {  	[tilespmem:s8], [sflag:$0x1] =	stream.indirect.gather [hbm4b:s7+s11], $0x80, s0, s11, $0xb8;
	[tilespmem:$0x10800] =	vst v63  }
0x75: {  	_ =	swait.ge [sflag:s15], $0x4000  }
0x76: {  	[sflag:s15] =	ssyncset.done $0x0  }
0x77: {  	[sflag:s15] =	ssyncadd.s32 $0xFFFFC000  }
0x78: {  	_ =	swait.ge [sflag:s15], $0x4000  }
0x79: {  	[sflag:s15] =	ssyncset.done $0x0  }
0x7a: {  	[sflag:s15] =	ssyncadd.s32 $0xFFFFC000  }
0x7b: {  	_ =	swait.ge [sflag:s15], $0x4000  }
0x7c: {  	[sflag:s15] =	ssyncset.done $0x0  }
0x7d: {  	[sflag:s15] =	ssyncadd.s32 $0xFFFFC000  }
0x7e: {  	_ =	swait.ge [sflag:s15], $0x4000  }
0x7f: {  	[sflag:s15] =	ssyncset.done $0x0  }
0x80: {  	s19 =	rddreg [dreg:$0x6];
	[sflag:s15] =	ssyncadd.s32 $0xFFFFC000  }
0x81: {  	[hbm4b:s19+s2] =	stream.linear.scatter [tilespmem:s13], [sflag:$0x2], $0x4000, $0x38;
	[tilespmem:$0x10800] =	vst v63  }
0x82: {  	_ =	swait.ge [sflag:s5], $0x4000  }
0x83: {  	[sflag:s5] =	ssyncset.done $0x0  }
0x84: {  	s25 =	rddreg [dreg:$0x7];
	[sflag:s5] =	ssyncadd.s32 $0xFFFFC000  }
0x85: {  	[hbm4b:s25+s2] =	stream.linear.scatter [tilespmem:s10], [sflag:$0x2], $0x4000, $0x38;
	[tilespmem:$0x10800] =	vst v63  }
0x86: {  	_ =	swait.ge [sflag:s5], $0x4000  }
0x87: {  	[sflag:s5] =	ssyncset.done $0x0  }
0x88: {  	s31 =	rddreg [dreg:$0x8];
	[sflag:s5] =	ssyncadd.s32 $0xFFFFC000  }
0x89: {  	[hbm4b:s31+s2] =	stream.linear.scatter [tilespmem:s9], [sflag:$0x2], $0x4000, $0x38;
	[tilespmem:$0x10800] =	vst v63  }
0x8a: {  	_ =	swait.ge [sflag:s5], $0x4000  }
0x8b: {  	[sflag:s5] =	ssyncset.done $0x0  }
0x8c: {  	s0 =	rddreg [dreg:$0x9];
	[sflag:s5] =	ssyncadd.s32 $0xFFFFC000  }
0x8d: {  	[hbm4b:s0+s2] =	stream.linear.scatter [tilespmem:s8], [sflag:$0x2], $0x4000, $0x38;
	[tilespmem:$0x10800] =	vst v63  }
0x8e: {  	_ =	swait.ge [sflag:s5], $0x4000  }
0x8f: {  	[sflag:s5] =	ssyncset.done $0x0  }
0x90: {  	s12 =	simm.s32 $0x400;
	[sflag:s5] =	ssyncadd.s32 $0xFFFFC000  }
0x91: {  	[tilespmem:s13], [sflag:$0x1] =	stream.indirect.gather [hbm4b:s3+s11], $0x80, s12, s11, $0xb8;
	[tilespmem:$0x10800] =	vst v63  }
0x92: {  	s28 =	simm.s32 $0x480  }
0x93: {  	[tilespmem:s10], [sflag:$0x1] =	stream.indirect.gather [hbm4b:s4+s11], $0x80, s28, s11, $0xb8;
	[tilespmem:$0x10800] =	vst v63  }
0x94: {  	s29 =	simm.s32 $0x500  }
0x95: {  	[tilespmem:s9], [sflag:$0x1] =	stream.indirect.gather [hbm4b:s6+s11], $0x80, s29, s11, $0xb8;
	[tilespmem:$0x10800] =	vst v63  }
0x96: {  	s30 =	smov.u32 s17;
	s17 =	simm.s32 $0x580  }
0x97: {  	[tilespmem:s8], [sflag:$0x1] =	stream.indirect.gather [hbm4b:s7+s11], $0x80, s17, s11, $0xb8;
	[tilespmem:$0x10800] =	vst v63  }
0x98: {  	_ =	swait.ge [sflag:s15], $0x4000  }
0x99: {  	[sflag:s15] =	ssyncset.done $0x0  }
0x9a: {  	[sflag:s15] =	ssyncadd.s32 $0xFFFFC000  }
0x9b: {  	_ =	swait.ge [sflag:s15], $0x4000  }
0x9c: {  	[sflag:s15] =	ssyncset.done $0x0  }
0x9d: {  	[sflag:s15] =	ssyncadd.s32 $0xFFFFC000  }
0x9e: {  	_ =	swait.ge [sflag:s15], $0x4000  }
0x9f: {  	[sflag:s15] =	ssyncset.done $0x0  }
0xa0: {  	[sflag:s15] =	ssyncadd.s32 $0xFFFFC000  }
0xa1: {  	_ =	swait.ge [sflag:s15], $0x4000  }
0xa2: {  	[sflag:s15] =	ssyncset.done $0x0  }
0xa3: {  	s14 =	rddreg [dreg:$0xa];
	[sflag:s15] =	ssyncadd.s32 $0xFFFFC000  }
0xa4: {  	[hbm4b:s14+s2] =	stream.linear.scatter [tilespmem:s13], [sflag:$0x2], $0x4000, $0x38;
	[tilespmem:$0x10800] =	vst v63  }
0xa5: {  	_ =	swait.ge [sflag:s5], $0x4000  }
0xa6: {  	[sflag:s5] =	ssyncset.done $0x0  }
0xa7: {  	s17 =	rddreg [dreg:$0xb];
	[sflag:s5] =	ssyncadd.s32 $0xFFFFC000  }
0xa8: {  	[hbm4b:s17+s2] =	stream.linear.scatter [tilespmem:s10], [sflag:$0x2], $0x4000, $0x38;
	[tilespmem:$0x10800] =	vst v63  }
0xa9: {  	_ =	swait.ge [sflag:s5], $0x4000  }
0xaa: {  	[sflag:s5] =	ssyncset.done $0x0  }
0xab: {  	s18 =	rddreg [dreg:$0xc];
	[sflag:s5] =	ssyncadd.s32 $0xFFFFC000  }
0xac: {  	[hbm4b:s18+s2] =	stream.linear.scatter [tilespmem:s9], [sflag:$0x2], $0x4000, $0x38;
	[tilespmem:$0x10800] =	vst v63  }
0xad: {  	_ =	swait.ge [sflag:s5], $0x4000  }
0xae: {  	[sflag:s5] =	ssyncset.done $0x0  }
0xaf: {  	s19 =	rddreg [dreg:$0xd];
	[sflag:s5] =	ssyncadd.s32 $0xFFFFC000  }
0xb0: {  	[hbm4b:s19+s2] =	stream.linear.scatter [tilespmem:s8], [sflag:$0x2], $0x4000, $0x38;
	[tilespmem:$0x10800] =	vst v63  }
0xb1: {  	_ =	swait.ge [sflag:s5], $0x4000  }
0xb2: {  	[sflag:s5] =	ssyncset.done $0x0  }
0xb3: {  	[sflag:s5] =	ssyncadd.s32 $0xFFFFC000  }
0xb4: {  	[tilespmem:s13], [sflag:$0x1] =	stream.indirect.gather [hbm4b:s3+s11], $0x80, s23, s11, $0xb8;
	[tilespmem:$0x10800] =	vst v63  }
0xb5: {  	_ = 	snop  }
0xb6: {  	[tilespmem:s10], [sflag:$0x1] =	stream.indirect.gather [hbm4b:s4+s11], $0x80, s24, s11, $0xb8;
	[tilespmem:$0x10800] =	vst v63  }
0xb7: {  	s22 =	simm.s32 $0x700  }
0xb8: {  	[tilespmem:s9], [sflag:$0x1] =	stream.indirect.gather [hbm4b:s6+s11], $0x80, s22, s11, $0xb8;
	[tilespmem:$0x10800] =	vst v63  }
0xb9: {  	s16 =	simm.s32 $0x780  }
0xba: {  	[tilespmem:s8], [sflag:$0x1] =	stream.indirect.gather [hbm4b:s7+s11], $0x80, s16, s11, $0xb8;
	[tilespmem:$0x10800] =	vst v63  }
0xbb: {  	_ =	swait.ge [sflag:s15], $0x4000  }
0xbc: {  	[sflag:s15] =	ssyncset.done $0x0  }
0xbd: {  	[sflag:s15] =	ssyncadd.s32 $0xFFFFC000  }
0xbe: {  	_ =	swait.ge [sflag:s15], $0x4000  }
0xbf: {  	[sflag:s15] =	ssyncset.done $0x0  }
0xc0: {  	[sflag:s15] =	ssyncadd.s32 $0xFFFFC000  }
0xc1: {  	_ =	swait.ge [sflag:s15], $0x4000  }
0xc2: {  	[sflag:s15] =	ssyncset.done $0x0  }
0xc3: {  	[sflag:s15] =	ssyncadd.s32 $0xFFFFC000  }
0xc4: {  	_ =	swait.ge [sflag:s15], $0x4000  }
0xc5: {  	[sflag:s15] =	ssyncset.done $0x0  }
0xc6: {  	s25 =	rddreg [dreg:$0xe];
	[sflag:s15] =	ssyncadd.s32 $0xFFFFC000  }
0xc7: {  	[hbm4b:s25+s2] =	stream.linear.scatter [tilespmem:s13], [sflag:$0x2], $0x4000, $0x38;
	[tilespmem:$0x10800] =	vst v63  }
0xc8: {  	_ =	swait.ge [sflag:s5], $0x4000  }
0xc9: {  	[sflag:s5] =	ssyncset.done $0x0  }
0xca: {  	s28 =	rddreg [dreg:$0xf];
	[sflag:s5] =	ssyncadd.s32 $0xFFFFC000  }
0xcb: {  	[hbm4b:s28+s2] =	stream.linear.scatter [tilespmem:s10], [sflag:$0x2], $0x4000, $0x38;
	[tilespmem:$0x10800] =	vst v63  }
0xcc: {  	_ =	swait.ge [sflag:s5], $0x4000  }
0xcd: {  	[sflag:s5] =	ssyncset.done $0x0  }
0xce: {  	s29 =	rddreg [dreg:$0x10];
	[sflag:s5] =	ssyncadd.s32 $0xFFFFC000  }
0xcf: {  	[hbm4b:s29+s2] =	stream.linear.scatter [tilespmem:s9], [sflag:$0x2], $0x4000, $0x38;
	[tilespmem:$0x10800] =	vst v63  }
0xd0: {  	p1 =	sne.s32 s21, $0x1;
	_ =	swait.ge [sflag:s5], $0x4000  }
.Ltmp1:
0xd1: {  	[sflag:s5] =	ssyncset.done $0x0;
	(pc) =	sbr.rel @!p1 .LBB2_7-.Ltmp1, $4  }
0xd2: {  	s31 =	rddreg [dreg:$0x11];
	[sflag:s5] =	ssyncadd.s32 $0xFFFFC000  }
0xd3: {  	[hbm4b:s31+s2] =	stream.linear.scatter [tilespmem:s8], [sflag:$0x2], $0x4000, $0x38;
	[tilespmem:$0x10800] =	vst v63  }
0xd4: {  	s21 =	sadd.s32 $0xFFFFFFFF, s21;
	_ =	swait.ge [sflag:s5], $0x4000  }
0xd5: {  	p0 =	por $0x1, $0x1;
	s22 =	rddreg [dreg:$0x12];
	[sflag:s5] =	ssyncset.done $0x0  }
0xd6: {  	s19 =	simm.s32 $0x200;
	s18 =	simm.s32 $0x400  }
0xd7: {  	s28 =	simm.s32 $0x280;
	s12 =	simm.s32 $0x480;
	s25 =	simm.s32 $0x300  }
0xd8: {  	s31 =	simm.s32 $0x500;
	s29 =	simm.s32 $0x380;
	s17 =	simm.s32 $0x580  }
.LBB2_4:
0xd9: {  	[sflag:s5] =	ssyncadd.s32 $0xFFFFC000  }
0xda: {  	[tilespmem:s2], [sflag:$0x2] =	stream.linear.gather [hbm4b:s22+s2], $0x80, $0x38;
	[tilespmem:$0x10800] =	vst v63  }
0xdb: {  	s23 =	rddreg [dreg:$0x13]  }
0xdc: {  	[tilespmem:s19], [sflag:$0x2] =	stream.linear.gather [hbm4b:s23+s2], $0x80, $0x38;
	[tilespmem:$0x10800] =	vst v63  }
0xdd: {  	s0 =	rddreg [dreg:$0x14]  }
0xde: {  	[tilespmem:s18], [sflag:$0x2] =	stream.linear.gather [hbm4b:s0+s2], $0x80, $0x38;
	[tilespmem:$0x10800] =	vst v63  }
0xdf: {  	s24 =	simm.s32 $0x600;
	s14 =	rddreg [dreg:$0x15]  }
0xe0: {  	[tilespmem:s24], [sflag:$0x2] =	stream.linear.gather [hbm4b:s14+s2], $0x80, $0x38;
	[tilespmem:$0x10800] =	vst v63  }
0xe1: {  	_ =	swait.ge [sflag:s5], $0x200  }
0xe2: {  	[sflag:s5] =	ssyncset.done $0x0  }
0xe3: {  	s16 =	rddreg [dreg:$0x16];
	[sflag:s5] =	ssyncadd.s32 $0xFFFFFE00  }
0xe4: {  	[tilespmem:s11], [sflag:$0x2] =	stream.linear.gather [hbm4b:s16+s2], $0x80, $0x38;
	[tilespmem:$0x10800] =	vst v63  }
0xe5: {  	s14 =	rddreg [dreg:$0x18]  }
0xe6: {  	[tilespmem:s28], [sflag:$0x2] =	stream.linear.gather [hbm4b:s14+s2], $0x80, $0x38;
	[tilespmem:$0x10800] =	vst v63  }
0xe7: {  	s22 =	rddreg [dreg:$0x19]  }
0xe8: {  	[tilespmem:s12], [sflag:$0x2] =	stream.linear.gather [hbm4b:s22+s2], $0x80, $0x38;
	[tilespmem:$0x10800] =	vst v63  }
0xe9: {  	s24 =	simm.s32 $0x680;
	s0 =	rddreg [dreg:$0x1a]  }
0xea: {  	[tilespmem:s24], [sflag:$0x2] =	stream.linear.gather [hbm4b:s0+s2], $0x80, $0x38;
	[tilespmem:$0x10800] =	vst v63  }
0xeb: {  	_ =	swait.ge [sflag:s5], $0x200  }
0xec: {  	[sflag:s5] =	ssyncset.done $0x0  }
0xed: {  	s14 =	simm.s32 $0x100;
	s16 =	rddreg [dreg:$0x17];
	[sflag:s5] =	ssyncadd.s32 $0xFFFFFE00  }
0xee: {  	[tilespmem:s14], [sflag:$0x2] =	stream.linear.gather [hbm4b:s16+s2], $0x80, $0x38;
	[tilespmem:$0x10800] =	vst v63  }
0xef: {  	s0 =	rddreg [dreg:$0x1c]  }
0xf0: {  	[tilespmem:s25], [sflag:$0x2] =	stream.linear.gather [hbm4b:s0+s2], $0x80, $0x38;
	[tilespmem:$0x10800] =	vst v63  }
0xf1: {  	s22 =	rddreg [dreg:$0x1d]  }
0xf2: {  	[tilespmem:s31], [sflag:$0x2] =	stream.linear.gather [hbm4b:s22+s2], $0x80, $0x38;
	[tilespmem:$0x10800] =	vst v63  }
0xf3: {  	s0 =	simm.s32 $0x700  }
0xf4: {  	[tilespmem:s0], [sflag:$0x2] =	stream.linear.gather [hbm4b:s1+s2], $0x80, $0x38;
	[tilespmem:$0x10800] =	vst v63  }
0xf5: {  	_ =	swait.ge [sflag:s5], $0x200  }
0xf6: {  	[sflag:s5] =	ssyncset.done $0x0  }
0xf7: {  	s22 =	simm.s32 $0x180;
	s16 =	rddreg [dreg:$0x1b];
	[sflag:s5] =	ssyncadd.s32 $0xFFFFFE00  }
0xf8: {  	[tilespmem:s22], [sflag:$0x2] =	stream.linear.gather [hbm4b:s16+s2], $0x80, $0x38;
	[tilespmem:$0x10800] =	vst v63  }
0xf9: {  	_ = 	snop  }
0xfa: {  	[tilespmem:s29], [sflag:$0x2] =	stream.linear.gather [hbm4b:s30+s2], $0x80, $0x38;
	[tilespmem:$0x10800] =	vst v63  }
0xfb: {  	_ = 	snop  }
0xfc: {  	[tilespmem:s17], [sflag:$0x2] =	stream.linear.gather [hbm4b:s20+s2], $0x80, $0x38;
	[tilespmem:$0x10800] =	vst v63  }
0xfd: {  	s16 =	simm.s32 $0x780  }
0xfe: {  	[tilespmem:s16], [sflag:$0x2] =	stream.linear.gather [hbm4b:s26+s2], $0x80, $0x38;
	[tilespmem:$0x10800] =	vst v63  }
0xff: {  	_ =	swait.ge [sflag:s5], $0x200  }
0x100: {  	[sflag:s5] =	ssyncset.done $0x0  }
0x101: {  	[sflag:s5] =	ssyncadd.s32 $0xFFFFFE00  }
0x102: {  	[tilespmem:s13], [sflag:$0x1] =	stream.indirect.gather [hbm4b:s3+s11], $0x80, s2, s11, $0xb8;
	[tilespmem:$0x10800] =	vst v63  }
0x103: {  	_ = 	snop  }
0x104: {  	[tilespmem:s10], [sflag:$0x1] =	stream.indirect.gather [hbm4b:s4+s11], $0x80, s11, s11, $0xb8;
	[tilespmem:$0x10800] =	vst v63  }
0x105: {  	_ = 	snop  }
0x106: {  	[tilespmem:s9], [sflag:$0x1] =	stream.indirect.gather [hbm4b:s6+s11], $0x80, s14, s11, $0xb8;
	[tilespmem:$0x10800] =	vst v63  }
0x107: {  	_ = 	snop  }
0x108: {  	[tilespmem:s8], [sflag:$0x1] =	stream.indirect.gather [hbm4b:s7+s11], $0x80, s22, s11, $0xb8;
	[tilespmem:$0x10800] =	vst v63  }
0x109: {  	_ =	swait.ge [sflag:s15], $0x4000  }
0x10a: {  	[sflag:s15] =	ssyncset.done $0x0  }
0x10b: {  	[sflag:s15] =	ssyncadd.s32 $0xFFFFC000  }
0x10c: {  	_ =	swait.ge [sflag:s15], $0x4000  }
0x10d: {  	[sflag:s15] =	ssyncset.done $0x0  }
0x10e: {  	[sflag:s15] =	ssyncadd.s32 $0xFFFFC000  }
0x10f: {  	_ =	swait.ge [sflag:s15], $0x4000  }
0x110: {  	[sflag:s15] =	ssyncset.done $0x0  }
0x111: {  	[sflag:s15] =	ssyncadd.s32 $0xFFFFC000  }
0x112: {  	_ =	swait.ge [sflag:s15], $0x4000  }
0x113: {  	[sflag:s15] =	ssyncset.done $0x0  }
0x114: {  	s14 =	rddreg [dreg:$0x2];
	[sflag:s15] =	ssyncadd.s32 $0xFFFFC000  }
0x115: {  	[hbm4b:s14+s2] =	stream.linear.scatter [tilespmem:s13], [sflag:$0x2], $0x4000, $0x38;
	[tilespmem:$0x10800] =	vst v63  }
0x116: {  	_ =	swait.ge [sflag:s5], $0x4000  }
0x117: {  	[sflag:s5] =	ssyncset.done $0x0  }
0x118: {  	s14 =	rddreg [dreg:$0x3];
	[sflag:s5] =	ssyncadd.s32 $0xFFFFC000  }
0x119: {  	[hbm4b:s14+s2] =	stream.linear.scatter [tilespmem:s10], [sflag:$0x2], $0x4000, $0x38;
	[tilespmem:$0x10800] =	vst v63  }
0x11a: {  	_ =	swait.ge [sflag:s5], $0x4000  }
0x11b: {  	[sflag:s5] =	ssyncset.done $0x0  }
0x11c: {  	s14 =	rddreg [dreg:$0x4];
	[sflag:s5] =	ssyncadd.s32 $0xFFFFC000  }
0x11d: {  	[hbm4b:s14+s2] =	stream.linear.scatter [tilespmem:s9], [sflag:$0x2], $0x4000, $0x38;
	[tilespmem:$0x10800] =	vst v63  }
0x11e: {  	_ =	swait.ge [sflag:s5], $0x4000  }
0x11f: {  	[sflag:s5] =	ssyncset.done $0x0  }
0x120: {  	s14 =	rddreg [dreg:$0x5];
	[sflag:s5] =	ssyncadd.s32 $0xFFFFC000  }
0x121: {  	[hbm4b:s14+s2] =	stream.linear.scatter [tilespmem:s8], [sflag:$0x2], $0x4000, $0x38;
	[tilespmem:$0x10800] =	vst v63  }
0x122: {  	_ =	swait.ge [sflag:s5], $0x4000  }
0x123: {  	[sflag:s5] =	ssyncset.done $0x0  }
0x124: {  	[sflag:s5] =	ssyncadd.s32 $0xFFFFC000  }
0x125: {  	[tilespmem:s13], [sflag:$0x1] =	stream.indirect.gather [hbm4b:s3+s11], $0x80, s19, s11, $0xb8;
	[tilespmem:$0x10800] =	vst v63  }
0x126: {  	_ = 	snop  }
0x127: {  	[tilespmem:s10], [sflag:$0x1] =	stream.indirect.gather [hbm4b:s4+s11], $0x80, s28, s11, $0xb8;
	[tilespmem:$0x10800] =	vst v63  }
0x128: {  	_ = 	snop  }
0x129: {  	[tilespmem:s9], [sflag:$0x1] =	stream.indirect.gather [hbm4b:s6+s11], $0x80, s25, s11, $0xb8;
	[tilespmem:$0x10800] =	vst v63  }
0x12a: {  	_ = 	snop  }
0x12b: {  	[tilespmem:s8], [sflag:$0x1] =	stream.indirect.gather [hbm4b:s7+s11], $0x80, s29, s11, $0xb8;
	[tilespmem:$0x10800] =	vst v63  }
0x12c: {  	_ =	swait.ge [sflag:s15], $0x4000  }
0x12d: {  	[sflag:s15] =	ssyncset.done $0x0  }
0x12e: {  	[sflag:s15] =	ssyncadd.s32 $0xFFFFC000  }
0x12f: {  	_ =	swait.ge [sflag:s15], $0x4000  }
0x130: {  	[sflag:s15] =	ssyncset.done $0x0  }
0x131: {  	[sflag:s15] =	ssyncadd.s32 $0xFFFFC000  }
0x132: {  	_ =	swait.ge [sflag:s15], $0x4000  }
0x133: {  	[sflag:s15] =	ssyncset.done $0x0  }
0x134: {  	[sflag:s15] =	ssyncadd.s32 $0xFFFFC000  }
0x135: {  	_ =	swait.ge [sflag:s15], $0x4000  }
0x136: {  	[sflag:s15] =	ssyncset.done $0x0  }
0x137: {  	s14 =	rddreg [dreg:$0x6];
	[sflag:s15] =	ssyncadd.s32 $0xFFFFC000  }
0x138: {  	[hbm4b:s14+s2] =	stream.linear.scatter [tilespmem:s13], [sflag:$0x2], $0x4000, $0x38;
	[tilespmem:$0x10800] =	vst v63  }
0x139: {  	_ =	swait.ge [sflag:s5], $0x4000  }
0x13a: {  	[sflag:s5] =	ssyncset.done $0x0  }
0x13b: {  	s14 =	rddreg [dreg:$0x7];
	[sflag:s5] =	ssyncadd.s32 $0xFFFFC000  }
0x13c: {  	[hbm4b:s14+s2] =	stream.linear.scatter [tilespmem:s10], [sflag:$0x2], $0x4000, $0x38;
	[tilespmem:$0x10800] =	vst v63  }
0x13d: {  	_ =	swait.ge [sflag:s5], $0x4000  }
0x13e: {  	[sflag:s5] =	ssyncset.done $0x0  }
0x13f: {  	s14 =	rddreg [dreg:$0x8];
	[sflag:s5] =	ssyncadd.s32 $0xFFFFC000  }
0x140: {  	[hbm4b:s14+s2] =	stream.linear.scatter [tilespmem:s9], [sflag:$0x2], $0x4000, $0x38;
	[tilespmem:$0x10800] =	vst v63  }
0x141: {  	_ =	swait.ge [sflag:s5], $0x4000  }
0x142: {  	[sflag:s5] =	ssyncset.done $0x0  }
0x143: {  	s14 =	rddreg [dreg:$0x9];
	[sflag:s5] =	ssyncadd.s32 $0xFFFFC000  }
0x144: {  	[hbm4b:s14+s2] =	stream.linear.scatter [tilespmem:s8], [sflag:$0x2], $0x4000, $0x38;
	[tilespmem:$0x10800] =	vst v63  }
0x145: {  	_ =	swait.ge [sflag:s5], $0x4000  }
0x146: {  	[sflag:s5] =	ssyncset.done $0x0  }
0x147: {  	[sflag:s5] =	ssyncadd.s32 $0xFFFFC000  }
0x148: {  	[tilespmem:s13], [sflag:$0x1] =	stream.indirect.gather [hbm4b:s3+s11], $0x80, s18, s11, $0xb8;
	[tilespmem:$0x10800] =	vst v63  }
0x149: {  	_ = 	snop  }
0x14a: {  	[tilespmem:s10], [sflag:$0x1] =	stream.indirect.gather [hbm4b:s4+s11], $0x80, s12, s11, $0xb8;
	[tilespmem:$0x10800] =	vst v63  }
0x14b: {  	_ = 	snop  }
0x14c: {  	[tilespmem:s9], [sflag:$0x1] =	stream.indirect.gather [hbm4b:s6+s11], $0x80, s31, s11, $0xb8;
	[tilespmem:$0x10800] =	vst v63  }
0x14d: {  	_ = 	snop  }
0x14e: {  	[tilespmem:s8], [sflag:$0x1] =	stream.indirect.gather [hbm4b:s7+s11], $0x80, s17, s11, $0xb8;
	[tilespmem:$0x10800] =	vst v63  }
0x14f: {  	_ =	swait.ge [sflag:s15], $0x4000  }
0x150: {  	[sflag:s15] =	ssyncset.done $0x0  }
0x151: {  	[sflag:s15] =	ssyncadd.s32 $0xFFFFC000  }
0x152: {  	_ =	swait.ge [sflag:s15], $0x4000  }
0x153: {  	[sflag:s15] =	ssyncset.done $0x0  }
0x154: {  	[sflag:s15] =	ssyncadd.s32 $0xFFFFC000  }
0x155: {  	_ =	swait.ge [sflag:s15], $0x4000  }
0x156: {  	[sflag:s15] =	ssyncset.done $0x0  }
0x157: {  	[sflag:s15] =	ssyncadd.s32 $0xFFFFC000  }
0x158: {  	_ =	swait.ge [sflag:s15], $0x4000  }
0x159: {  	[sflag:s15] =	ssyncset.done $0x0  }
0x15a: {  	s14 =	rddreg [dreg:$0xa];
	[sflag:s15] =	ssyncadd.s32 $0xFFFFC000  }
0x15b: {  	[hbm4b:s14+s2] =	stream.linear.scatter [tilespmem:s13], [sflag:$0x2], $0x4000, $0x38;
	[tilespmem:$0x10800] =	vst v63  }
0x15c: {  	_ =	swait.ge [sflag:s5], $0x4000  }
0x15d: {  	[sflag:s5] =	ssyncset.done $0x0  }
0x15e: {  	s14 =	rddreg [dreg:$0xb];
	[sflag:s5] =	ssyncadd.s32 $0xFFFFC000  }
0x15f: {  	[hbm4b:s14+s2] =	stream.linear.scatter [tilespmem:s10], [sflag:$0x2], $0x4000, $0x38;
	[tilespmem:$0x10800] =	vst v63  }
0x160: {  	_ =	swait.ge [sflag:s5], $0x4000  }
0x161: {  	[sflag:s5] =	ssyncset.done $0x0  }
0x162: {  	s14 =	rddreg [dreg:$0xc];
	[sflag:s5] =	ssyncadd.s32 $0xFFFFC000  }
0x163: {  	[hbm4b:s14+s2] =	stream.linear.scatter [tilespmem:s9], [sflag:$0x2], $0x4000, $0x38;
	[tilespmem:$0x10800] =	vst v63  }
0x164: {  	_ =	swait.ge [sflag:s5], $0x4000  }
0x165: {  	[sflag:s5] =	ssyncset.done $0x0  }
0x166: {  	s14 =	rddreg [dreg:$0xd];
	[sflag:s5] =	ssyncadd.s32 $0xFFFFC000  }
0x167: {  	[hbm4b:s14+s2] =	stream.linear.scatter [tilespmem:s8], [sflag:$0x2], $0x4000, $0x38;
	[tilespmem:$0x10800] =	vst v63  }
0x168: {  	_ =	swait.ge [sflag:s5], $0x4000  }
0x169: {  	[sflag:s5] =	ssyncset.done $0x0  }
0x16a: {  	s23 =	simm.s32 $0x600;
	[sflag:s5] =	ssyncadd.s32 $0xFFFFC000  }
0x16b: {  	[tilespmem:s13], [sflag:$0x1] =	stream.indirect.gather [hbm4b:s3+s11], $0x80, s23, s11, $0xb8;
	[tilespmem:$0x10800] =	vst v63  }
0x16c: {  	_ = 	snop  }
0x16d: {  	[tilespmem:s10], [sflag:$0x1] =	stream.indirect.gather [hbm4b:s4+s11], $0x80, s24, s11, $0xb8;
	[tilespmem:$0x10800] =	vst v63  }
0x16e: {  	_ = 	snop  }
0x16f: {  	[tilespmem:s9], [sflag:$0x1] =	stream.indirect.gather [hbm4b:s6+s11], $0x80, s0, s11, $0xb8;
	[tilespmem:$0x10800] =	vst v63  }
0x170: {  	_ = 	snop  }
0x171: {  	[tilespmem:s8], [sflag:$0x1] =	stream.indirect.gather [hbm4b:s7+s11], $0x80, s16, s11, $0xb8;
	[tilespmem:$0x10800] =	vst v63  }
0x172: {  	_ =	swait.ge [sflag:s15], $0x4000  }
0x173: {  	[sflag:s15] =	ssyncset.done $0x0  }
0x174: {  	[sflag:s15] =	ssyncadd.s32 $0xFFFFC000  }
0x175: {  	_ =	swait.ge [sflag:s15], $0x4000  }
0x176: {  	[sflag:s15] =	ssyncset.done $0x0  }
0x177: {  	[sflag:s15] =	ssyncadd.s32 $0xFFFFC000  }
0x178: {  	_ =	swait.ge [sflag:s15], $0x4000  }
0x179: {  	[sflag:s15] =	ssyncset.done $0x0  }
0x17a: {  	[sflag:s15] =	ssyncadd.s32 $0xFFFFC000  }
0x17b: {  	_ =	swait.ge [sflag:s15], $0x4000  }
0x17c: {  	[sflag:s15] =	ssyncset.done $0x0  }
0x17d: {  	s16 =	rddreg [dreg:$0xe];
	[sflag:s15] =	ssyncadd.s32 $0xFFFFC000  }
0x17e: {  	[hbm4b:s16+s2] =	stream.linear.scatter [tilespmem:s13], [sflag:$0x2], $0x4000, $0x38;
	[tilespmem:$0x10800] =	vst v63  }
0x17f: {  	_ =	swait.ge [sflag:s5], $0x4000  }
0x180: {  	[sflag:s5] =	ssyncset.done $0x0  }
0x181: {  	s0 =	rddreg [dreg:$0xf];
	[sflag:s5] =	ssyncadd.s32 $0xFFFFC000  }
0x182: {  	[hbm4b:s0+s2] =	stream.linear.scatter [tilespmem:s10], [sflag:$0x2], $0x4000, $0x38;
	[tilespmem:$0x10800] =	vst v63  }
0x183: {  	_ =	swait.ge [sflag:s5], $0x4000  }
0x184: {  	[sflag:s5] =	ssyncset.done $0x0  }
0x185: {  	s14 =	rddreg [dreg:$0x10];
	[sflag:s5] =	ssyncadd.s32 $0xFFFFC000  }
0x186: {  	[hbm4b:s14+s2] =	stream.linear.scatter [tilespmem:s9], [sflag:$0x2], $0x4000, $0x38;
	[tilespmem:$0x10800] =	vst v63  }
0x187: {  	p1 =	sne.s32 s21, $0x1;
	_ =	swait.ge [sflag:s5], $0x4000  }
.Ltmp2:
0x188: {  	[sflag:s5] =	ssyncset.done $0x0;
	(pc) =	sbr.rel @p1 .LBB2_4-.Ltmp2, $4  }
0x189: {  	s16 =	rddreg [dreg:$0x11];
	[sflag:s5] =	ssyncadd.s32 $0xFFFFC000  }
0x18a: {  	[hbm4b:s16+s2] =	stream.linear.scatter [tilespmem:s8], [sflag:$0x2], $0x4000, $0x38;
	[tilespmem:$0x10800] =	vst v63  }
0x18b: {  	_ =	swait.ge [sflag:s5], $0x4000  }
0x18c: {  	s21 =	sadd.s32 $0xFFFFFFFF, s21;
	s22 =	rddreg [dreg:$0x12];
	[sflag:s5] =	ssyncset.done $0x0  }
0x18d: {  	s14 =	rddreg [dreg:$0x16]  }
0x18e: {  	s21 =	rddreg [dreg:$0x17]  }
0x18f: {  	s30 =	rddreg [dreg:$0x1];
	s18 =	simm.s32 $0x700;
	s12 =	simm.s32 $0x780  }
0x190: {  	s17 =	simm.s32 $0x400;
	s19 =	simm.s32 $0x480;
	s20 =	simm.s32 $0x500  }
0x191: {  	s29 =	simm.s32 $0x580;
	s25 =	simm.s32 $0x200;
	s26 =	simm.s32 $0x280  }
0x192: {  	s28 =	simm.s32 $0x300;
	s16 =	simm.s32 $0x380;
	s31 =	rddreg [dreg:$0x1b]  }
.LBB2_6:
0x193: {  	[sflag:s5] =	ssyncadd.s32 @p0 $0xFFFFC000  }
0x194: {  	[tilespmem:s2], [sflag:$0x2] =	stream.linear.gather [hbm4b:s22+s2], $0x80, $0x38;
	[tilespmem:$0x10800] =	vst v63  }
0x195: {  	s0 =	rddreg [dreg:$0x13]  }
0x196: {  	[tilespmem:s25], [sflag:$0x2] =	stream.linear.gather [hbm4b:s0+s2], $0x80, $0x38;
	[tilespmem:$0x10800] =	vst v63  }
0x197: {  	s1 =	rddreg [dreg:$0x14]  }
0x198: {  	[tilespmem:s17], [sflag:$0x2] =	stream.linear.gather [hbm4b:s1+s2], $0x80, $0x38;
	[tilespmem:$0x10800] =	vst v63  }
0x199: {  	s22 =	rddreg [dreg:$0x15]  }
0x19a: {  	[tilespmem:s23], [sflag:$0x2] =	stream.linear.gather [hbm4b:s22+s2], $0x80, $0x38;
	[tilespmem:$0x10800] =	vst v63  }
0x19b: {  	_ =	swait.ge [sflag:s5], $0x200  }
0x19c: {  	[sflag:s5] =	ssyncset.done $0x0  }
0x19d: {  	[sflag:s5] =	ssyncadd.s32 $0xFFFFFE00  }
0x19e: {  	[tilespmem:s11], [sflag:$0x2] =	stream.linear.gather [hbm4b:s14+s2], $0x80, $0x38;
	[tilespmem:$0x10800] =	vst v63  }
0x19f: {  	s22 =	sadd.s32 $0x80, s14  }
0x1a0: {  	[tilespmem:s26], [sflag:$0x2] =	stream.linear.gather [hbm4b:s22+s2], $0x80, $0x38;
	[tilespmem:$0x10800] =	vst v63  }
0x1a1: {  	s1 =	sadd.s32 $0x100, s14  }
0x1a2: {  	[tilespmem:s19], [sflag:$0x2] =	stream.linear.gather [hbm4b:s1+s2], $0x80, $0x38;
	[tilespmem:$0x10800] =	vst v63  }
0x1a3: {  	s14 =	sadd.s32 $0x180, s14  }
0x1a4: {  	[tilespmem:s24], [sflag:$0x2] =	stream.linear.gather [hbm4b:s14+s2], $0x80, $0x38;
	[tilespmem:$0x10800] =	vst v63  }
0x1a5: {  	_ =	swait.ge [sflag:s5], $0x200  }
0x1a6: {  	[sflag:s5] =	ssyncset.done $0x0  }
0x1a7: {  	s1 =	simm.s32 $0x100;
	[sflag:s5] =	ssyncadd.s32 $0xFFFFFE00  }
0x1a8: {  	[tilespmem:s1], [sflag:$0x2] =	stream.linear.gather [hbm4b:s21+s2], $0x80, $0x38;
	[tilespmem:$0x10800] =	vst v63  }
0x1a9: {  	s22 =	sadd.s32 $0x80, s21  }
0x1aa: {  	[tilespmem:s28], [sflag:$0x2] =	stream.linear.gather [hbm4b:s22+s2], $0x80, $0x38;
	[tilespmem:$0x10800] =	vst v63  }
0x1ab: {  	s14 =	sadd.s32 $0x100, s21  }
0x1ac: {  	[tilespmem:s20], [sflag:$0x2] =	stream.linear.gather [hbm4b:s14+s2], $0x80, $0x38;
	[tilespmem:$0x10800] =	vst v63  }
0x1ad: {  	s22 =	sadd.s32 $0x180, s21  }
0x1ae: {  	[tilespmem:s18], [sflag:$0x2] =	stream.linear.gather [hbm4b:s22+s2], $0x80, $0x38;
	[tilespmem:$0x10800] =	vst v63  }
0x1af: {  	_ =	swait.ge [sflag:s5], $0x200  }
0x1b0: {  	[sflag:s5] =	ssyncset.done $0x0  }
0x1b1: {  	s21 =	simm.s32 $0x180;
	[sflag:s5] =	ssyncadd.s32 $0xFFFFFE00  }
0x1b2: {  	[tilespmem:s21], [sflag:$0x2] =	stream.linear.gather [hbm4b:s31+s2], $0x80, $0x38;
	[tilespmem:$0x10800] =	vst v63  }
0x1b3: {  	s14 =	sadd.s32 $0x80, s31  }
0x1b4: {  	[tilespmem:s16], [sflag:$0x2] =	stream.linear.gather [hbm4b:s14+s2], $0x80, $0x38;
	[tilespmem:$0x10800] =	vst v63  }
0x1b5: {  	s22 =	sadd.s32 $0x100, s31  }
0x1b6: {  	[tilespmem:s29], [sflag:$0x2] =	stream.linear.gather [hbm4b:s22+s2], $0x80, $0x38;
	[tilespmem:$0x10800] =	vst v63  }
0x1b7: {  	s31 =	sadd.s32 $0x180, s31  }
0x1b8: {  	[tilespmem:s12], [sflag:$0x2] =	stream.linear.gather [hbm4b:s31+s2], $0x80, $0x38;
	[tilespmem:$0x10800] =	vst v63  }
0x1b9: {  	_ =	swait.ge [sflag:s5], $0x200  }
0x1ba: {  	[sflag:s5] =	ssyncset.done $0x0  }
0x1bb: {  	[sflag:s5] =	ssyncadd.s32 $0xFFFFFE00  }
0x1bc: {  	[tilespmem:s13], [sflag:$0x1] =	stream.indirect.gather [hbm4b:s3+s11], $0x80, s2, s11, $0xb8;
	[tilespmem:$0x10800] =	vst v63  }
0x1bd: {  	_ = 	snop  }
0x1be: {  	[tilespmem:s10], [sflag:$0x1] =	stream.indirect.gather [hbm4b:s4+s11], $0x80, s11, s11, $0xb8;
	[tilespmem:$0x10800] =	vst v63  }
0x1bf: {  	_ = 	snop  }
0x1c0: {  	[tilespmem:s9], [sflag:$0x1] =	stream.indirect.gather [hbm4b:s6+s11], $0x80, s1, s11, $0xb8;
	[tilespmem:$0x10800] =	vst v63  }
0x1c1: {  	_ = 	snop  }
0x1c2: {  	[tilespmem:s8], [sflag:$0x1] =	stream.indirect.gather [hbm4b:s7+s11], $0x80, s21, s11, $0xb8;
	[tilespmem:$0x10800] =	vst v63  }
0x1c3: {  	_ =	swait.ge [sflag:s15], $0x4000  }
0x1c4: {  	[sflag:s15] =	ssyncset.done $0x0  }
0x1c5: {  	[sflag:s15] =	ssyncadd.s32 $0xFFFFC000  }
0x1c6: {  	_ =	swait.ge [sflag:s15], $0x4000  }
0x1c7: {  	[sflag:s15] =	ssyncset.done $0x0  }
0x1c8: {  	[sflag:s15] =	ssyncadd.s32 $0xFFFFC000  }
0x1c9: {  	_ =	swait.ge [sflag:s15], $0x4000  }
0x1ca: {  	[sflag:s15] =	ssyncset.done $0x0  }
0x1cb: {  	[sflag:s15] =	ssyncadd.s32 $0xFFFFC000  }
0x1cc: {  	_ =	swait.ge [sflag:s15], $0x4000  }
0x1cd: {  	[sflag:s15] =	ssyncset.done $0x0  }
0x1ce: {  	s1 =	rddreg [dreg:$0x2];
	[sflag:s15] =	ssyncadd.s32 $0xFFFFC000  }
0x1cf: {  	[hbm4b:s1+s2] =	stream.linear.scatter [tilespmem:s13], [sflag:$0x2], $0x4000, $0x38;
	[tilespmem:$0x10800] =	vst v63  }
0x1d0: {  	_ =	swait.ge [sflag:s5], $0x4000  }
0x1d1: {  	[sflag:s5] =	ssyncset.done $0x0  }
0x1d2: {  	s14 =	rddreg [dreg:$0x3];
	[sflag:s5] =	ssyncadd.s32 $0xFFFFC000  }
0x1d3: {  	[hbm4b:s14+s2] =	stream.linear.scatter [tilespmem:s10], [sflag:$0x2], $0x4000, $0x38;
	[tilespmem:$0x10800] =	vst v63  }
0x1d4: {  	_ =	swait.ge [sflag:s5], $0x4000  }
0x1d5: {  	[sflag:s5] =	ssyncset.done $0x0  }
0x1d6: {  	s21 =	rddreg [dreg:$0x4];
	[sflag:s5] =	ssyncadd.s32 $0xFFFFC000  }
0x1d7: {  	[hbm4b:s21+s2] =	stream.linear.scatter [tilespmem:s9], [sflag:$0x2], $0x4000, $0x38;
	[tilespmem:$0x10800] =	vst v63  }
0x1d8: {  	_ =	swait.ge [sflag:s5], $0x4000  }
0x1d9: {  	[sflag:s5] =	ssyncset.done $0x0  }
0x1da: {  	s22 =	rddreg [dreg:$0x5];
	[sflag:s5] =	ssyncadd.s32 $0xFFFFC000  }
0x1db: {  	[hbm4b:s22+s2] =	stream.linear.scatter [tilespmem:s8], [sflag:$0x2], $0x4000, $0x38;
	[tilespmem:$0x10800] =	vst v63  }
0x1dc: {  	_ =	swait.ge [sflag:s5], $0x4000  }
0x1dd: {  	[sflag:s5] =	ssyncset.done $0x0  }
0x1de: {  	[sflag:s5] =	ssyncadd.s32 $0xFFFFC000  }
0x1df: {  	[tilespmem:s13], [sflag:$0x1] =	stream.indirect.gather [hbm4b:s3+s11], $0x80, s25, s11, $0xb8;
	[tilespmem:$0x10800] =	vst v63  }
0x1e0: {  	_ = 	snop  }
0x1e1: {  	[tilespmem:s10], [sflag:$0x1] =	stream.indirect.gather [hbm4b:s4+s11], $0x80, s26, s11, $0xb8;
	[tilespmem:$0x10800] =	vst v63  }
0x1e2: {  	_ = 	snop  }
0x1e3: {  	[tilespmem:s9], [sflag:$0x1] =	stream.indirect.gather [hbm4b:s6+s11], $0x80, s28, s11, $0xb8;
	[tilespmem:$0x10800] =	vst v63  }
0x1e4: {  	_ = 	snop  }
0x1e5: {  	[tilespmem:s8], [sflag:$0x1] =	stream.indirect.gather [hbm4b:s7+s11], $0x80, s16, s11, $0xb8;
	[tilespmem:$0x10800] =	vst v63  }
0x1e6: {  	_ =	swait.ge [sflag:s15], $0x4000  }
0x1e7: {  	[sflag:s15] =	ssyncset.done $0x0  }
0x1e8: {  	[sflag:s15] =	ssyncadd.s32 $0xFFFFC000  }
0x1e9: {  	_ =	swait.ge [sflag:s15], $0x4000  }
0x1ea: {  	[sflag:s15] =	ssyncset.done $0x0  }
0x1eb: {  	[sflag:s15] =	ssyncadd.s32 $0xFFFFC000  }
0x1ec: {  	_ =	swait.ge [sflag:s15], $0x4000  }
0x1ed: {  	[sflag:s15] =	ssyncset.done $0x0  }
0x1ee: {  	[sflag:s15] =	ssyncadd.s32 $0xFFFFC000  }
0x1ef: {  	_ =	swait.ge [sflag:s15], $0x4000  }
0x1f0: {  	[sflag:s15] =	ssyncset.done $0x0  }
0x1f1: {  	s31 =	rddreg [dreg:$0x6];
	[sflag:s15] =	ssyncadd.s32 $0xFFFFC000  }
0x1f2: {  	[hbm4b:s31+s2] =	stream.linear.scatter [tilespmem:s13], [sflag:$0x2], $0x4000, $0x38;
	[tilespmem:$0x10800] =	vst v63  }
0x1f3: {  	_ =	swait.ge [sflag:s5], $0x4000  }
0x1f4: {  	[sflag:s5] =	ssyncset.done $0x0  }
0x1f5: {  	s1 =	rddreg [dreg:$0x7];
	[sflag:s5] =	ssyncadd.s32 $0xFFFFC000  }
0x1f6: {  	[hbm4b:s1+s2] =	stream.linear.scatter [tilespmem:s10], [sflag:$0x2], $0x4000, $0x38;
	[tilespmem:$0x10800] =	vst v63  }
0x1f7: {  	_ =	swait.ge [sflag:s5], $0x4000  }
0x1f8: {  	[sflag:s5] =	ssyncset.done $0x0  }
0x1f9: {  	s14 =	rddreg [dreg:$0x8];
	[sflag:s5] =	ssyncadd.s32 $0xFFFFC000  }
0x1fa: {  	[hbm4b:s14+s2] =	stream.linear.scatter [tilespmem:s9], [sflag:$0x2], $0x4000, $0x38;
	[tilespmem:$0x10800] =	vst v63  }
0x1fb: {  	_ =	swait.ge [sflag:s5], $0x4000  }
0x1fc: {  	[sflag:s5] =	ssyncset.done $0x0  }
0x1fd: {  	s16 =	rddreg [dreg:$0x9];
	[sflag:s5] =	ssyncadd.s32 $0xFFFFC000  }
0x1fe: {  	[hbm4b:s16+s2] =	stream.linear.scatter [tilespmem:s8], [sflag:$0x2], $0x4000, $0x38;
	[tilespmem:$0x10800] =	vst v63  }
0x1ff: {  	_ =	swait.ge [sflag:s5], $0x4000  }
0x200: {  	[sflag:s5] =	ssyncset.done $0x0  }
0x201: {  	[sflag:s5] =	ssyncadd.s32 $0xFFFFC000  }
0x202: {  	[tilespmem:s13], [sflag:$0x1] =	stream.indirect.gather [hbm4b:s3+s11], $0x80, s17, s11, $0xb8;
	[tilespmem:$0x10800] =	vst v63  }
0x203: {  	_ = 	snop  }
0x204: {  	[tilespmem:s10], [sflag:$0x1] =	stream.indirect.gather [hbm4b:s4+s11], $0x80, s19, s11, $0xb8;
	[tilespmem:$0x10800] =	vst v63  }
0x205: {  	_ = 	snop  }
0x206: {  	[tilespmem:s9], [sflag:$0x1] =	stream.indirect.gather [hbm4b:s6+s11], $0x80, s20, s11, $0xb8;
	[tilespmem:$0x10800] =	vst v63  }
0x207: {  	_ = 	snop  }
0x208: {  	[tilespmem:s8], [sflag:$0x1] =	stream.indirect.gather [hbm4b:s7+s11], $0x80, s29, s11, $0xb8;
	[tilespmem:$0x10800] =	vst v63  }
0x209: {  	_ =	swait.ge [sflag:s15], $0x4000  }
0x20a: {  	[sflag:s15] =	ssyncset.done $0x0  }
0x20b: {  	[sflag:s15] =	ssyncadd.s32 $0xFFFFC000  }
0x20c: {  	_ =	swait.ge [sflag:s15], $0x4000  }
0x20d: {  	[sflag:s15] =	ssyncset.done $0x0  }
0x20e: {  	[sflag:s15] =	ssyncadd.s32 $0xFFFFC000  }
0x20f: {  	_ =	swait.ge [sflag:s15], $0x4000  }
0x210: {  	[sflag:s15] =	ssyncset.done $0x0  }
0x211: {  	[sflag:s15] =	ssyncadd.s32 $0xFFFFC000  }
0x212: {  	_ =	swait.ge [sflag:s15], $0x4000  }
0x213: {  	[sflag:s15] =	ssyncset.done $0x0  }
0x214: {  	s19 =	rddreg [dreg:$0xa];
	[sflag:s15] =	ssyncadd.s32 $0xFFFFC000  }
0x215: {  	[hbm4b:s19+s2] =	stream.linear.scatter [tilespmem:s13], [sflag:$0x2], $0x4000, $0x38;
	[tilespmem:$0x10800] =	vst v63  }
0x216: {  	_ =	swait.ge [sflag:s5], $0x4000  }
0x217: {  	[sflag:s5] =	ssyncset.done $0x0  }
0x218: {  	s20 =	rddreg [dreg:$0xb];
	[sflag:s5] =	ssyncadd.s32 $0xFFFFC000  }
0x219: {  	[hbm4b:s20+s2] =	stream.linear.scatter [tilespmem:s10], [sflag:$0x2], $0x4000, $0x38;
	[tilespmem:$0x10800] =	vst v63  }
0x21a: {  	_ =	swait.ge [sflag:s5], $0x4000  }
0x21b: {  	[sflag:s5] =	ssyncset.done $0x0  }
0x21c: {  	s21 =	rddreg [dreg:$0xc];
	[sflag:s5] =	ssyncadd.s32 $0xFFFFC000  }
0x21d: {  	[hbm4b:s21+s2] =	stream.linear.scatter [tilespmem:s9], [sflag:$0x2], $0x4000, $0x38;
	[tilespmem:$0x10800] =	vst v63  }
0x21e: {  	_ =	swait.ge [sflag:s5], $0x4000  }
0x21f: {  	[sflag:s5] =	ssyncset.done $0x0  }
0x220: {  	s22 =	rddreg [dreg:$0xd];
	[sflag:s5] =	ssyncadd.s32 $0xFFFFC000  }
0x221: {  	[hbm4b:s22+s2] =	stream.linear.scatter [tilespmem:s8], [sflag:$0x2], $0x4000, $0x38;
	[tilespmem:$0x10800] =	vst v63  }
0x222: {  	_ =	swait.ge [sflag:s5], $0x4000  }
0x223: {  	[sflag:s5] =	ssyncset.done $0x0  }
0x224: {  	[sflag:s5] =	ssyncadd.s32 $0xFFFFC000  }
0x225: {  	[tilespmem:s13], [sflag:$0x1] =	stream.indirect.gather [hbm4b:s3+s11], $0x80, s23, s11, $0xb8;
	[tilespmem:$0x10800] =	vst v63  }
0x226: {  	_ = 	snop  }
0x227: {  	[tilespmem:s10], [sflag:$0x1] =	stream.indirect.gather [hbm4b:s4+s11], $0x80, s24, s11, $0xb8;
	[tilespmem:$0x10800] =	vst v63  }
0x228: {  	_ = 	snop  }
0x229: {  	[tilespmem:s9], [sflag:$0x1] =	stream.indirect.gather [hbm4b:s6+s11], $0x80, s18, s11, $0xb8;
	[tilespmem:$0x10800] =	vst v63  }
0x22a: {  	_ = 	snop  }
0x22b: {  	[tilespmem:s8], [sflag:$0x1] =	stream.indirect.gather [hbm4b:s7+s11], $0x80, s12, s11, $0xb8;
	[tilespmem:$0x10800] =	vst v63  }
0x22c: {  	_ =	swait.ge [sflag:s15], $0x4000  }
0x22d: {  	[sflag:s15] =	ssyncset.done $0x0  }
0x22e: {  	[sflag:s15] =	ssyncadd.s32 $0xFFFFC000  }
0x22f: {  	_ =	swait.ge [sflag:s15], $0x4000  }
0x230: {  	[sflag:s15] =	ssyncset.done $0x0  }
0x231: {  	[sflag:s15] =	ssyncadd.s32 $0xFFFFC000  }
0x232: {  	_ =	swait.ge [sflag:s15], $0x4000  }
0x233: {  	[sflag:s15] =	ssyncset.done $0x0  }
0x234: {  	[sflag:s15] =	ssyncadd.s32 $0xFFFFC000  }
0x235: {  	_ =	swait.ge [sflag:s15], $0x4000  }
0x236: {  	[sflag:s15] =	ssyncset.done $0x0  }
0x237: {  	s25 =	rddreg [dreg:$0xe];
	[sflag:s15] =	ssyncadd.s32 $0xFFFFC000  }
0x238: {  	[hbm4b:s25+s2] =	stream.linear.scatter [tilespmem:s13], [sflag:$0x2], $0x4000, $0x38;
	[tilespmem:$0x10800] =	vst v63  }
0x239: {  	_ =	swait.ge [sflag:s5], $0x4000  }
0x23a: {  	[sflag:s5] =	ssyncset.done $0x0  }
0x23b: {  	s26 =	rddreg [dreg:$0xf];
	[sflag:s5] =	ssyncadd.s32 $0xFFFFC000  }
0x23c: {  	[hbm4b:s26+s2] =	stream.linear.scatter [tilespmem:s10], [sflag:$0x2], $0x4000, $0x38;
	[tilespmem:$0x10800] =	vst v63  }
0x23d: {  	_ =	swait.ge [sflag:s5], $0x4000  }
0x23e: {  	[sflag:s5] =	ssyncset.done $0x0  }
0x23f: {  	s28 =	rddreg [dreg:$0x10];
	[sflag:s5] =	ssyncadd.s32 $0xFFFFC000  }
0x240: {  	[hbm4b:s28+s2] =	stream.linear.scatter [tilespmem:s9], [sflag:$0x2], $0x4000, $0x38;
	[tilespmem:$0x10800] =	vst v63  }
0x241: {  	_ =	swait.ge [sflag:s5], $0x4000  }
0x242: {  	[sflag:s5] =	ssyncset.done $0x0  }
0x243: {  	s29 =	rddreg [dreg:$0x11];
	[sflag:s5] =	ssyncadd.s32 $0xFFFFC000  }
0x244: {  	[hbm4b:s29+s2] =	stream.linear.scatter [tilespmem:s8], [sflag:$0x2], $0x4000, $0x38;
	[tilespmem:$0x10800] =	vst v63  }
0x245: {  	_ =	swait.ge [sflag:s5], $0x4000  }
0x246: {  	[sflag:s5] =	ssyncset.done $0x0  }
0x247: {  	[sflag:s5] =	ssyncadd.s32 $0xFFFFC000  }
0x248: {  	_ =	sfence.sel $0x180000  }
0x249: {  	s31 =	stileid.u32;
	[bflag:$0x0] =	sbarrier.arrive $0xFFFF  }
0x24a: {  	p0 =	sne.s32 s31, $0x0;
	_ =	strace $0x90000047  }
0x24b: {  	s0 =	sadd.s32 @!p0 $0x100000, s30;
	[bflag:$0x2] =	sbarrier.arrive $0xFFFF  }
0x24c: {  	[sflag:s0] =	ssyncadd.tile.s32 @!p0 $0x1;
	_ =	shalt  }
.LBB2_1:
.Ltmp3:
0x24d: {  	(pc) =	sbr.rel .LBB2_6-.Ltmp3, $3  }
0x24e: {  	_ =	sdelay $0x1  }
0x24f: {  	s14 =	rddreg [dreg:$0x16]  }
0x250: {  	s21 =	rddreg [dreg:$0x17]  }
.LBB2_7:
0x251: {  	s14 =	rddreg [dreg:$0x16]  }
.Ltmp4:
0x252: {  	s21 =	rddreg [dreg:$0x17];
	(pc) =	sbr.rel .LBB2_6-.Ltmp4, $4  }
0x253: {  	s30 =	rddreg [dreg:$0x1];
	s18 =	simm.s32 $0x700;
	s12 =	simm.s32 $0x780  }
0x254: {  	s17 =	simm.s32 $0x400;
	s19 =	simm.s32 $0x480;
	s20 =	simm.s32 $0x500  }
0x255: {  	s29 =	simm.s32 $0x580;
	s25 =	simm.s32 $0x200;
	s26 =	simm.s32 $0x280  }
0x256: {  	s28 =	simm.s32 $0x300;
	s16 =	simm.s32 $0x380;
	s31 =	rddreg [dreg:$0x1b]  }
.Lfunc_end2:
_tile_overlayer_lowered:
.L_overlay_start_2:
0x257: {  	(tag) =	ssettag $0x2  }
0x258: {  	s0 =	rddreg [dreg:$0x0];
	s2 =	stileid.u32  }
0x259: {  	s1 =	rddreg [dreg:$0x1];
	p0 =	sne.s32 s2, $0x0  }
0x25a: {  	s3 =	rddreg [dreg:$0x2];
	[bflag:$0x3] =	sbarrier.arrive $0xFFFF;
	s2 =	simm.s32 @!p0 $0x1C02  }
0x25b: {  	[timem:s3], [sflag:s2] =	dma.local @!p0 [hbm:s0], s1  }
0x25c: {  	s0 =	simm.s32 @!p0 $0x2  }
0x25d: {  	_ =	swait.ge @!p0 [sflag:s0], s1  }
0x25e: {  	s1 =	ssub.s32 @!p0 $0x0, s1;
	[sflag:s0] =	ssyncset.done @!p0 $0x0  }
0x25f: {  	[sflag:s0] =	ssyncadd.s32 @!p0 s1  }
0x260: {  	[bflag:$0x3] =	sbarrier.arrive $0xFFFF  }
0x261: {  	_ =	shalt  }

</sc_bundles>
